<compile_context>
chip_gen: v7x
topology: tpu7x:2x2x1
jax: 0.10.2.dev20260603
libtpu: 0.0.44.dev20260713+nightly
codegen_flags: <defaults>
</compile_context>

<pallas_src>
import functools

import jax
import jax.numpy as jnp
from jax import lax
from jax.experimental import pallas as pl
from jax.experimental.pallas import tpu as pltpu
from jax.experimental.pallas import tpu_sc as plsc

E = 64
K = 2
T, D, F = 2048, 1024, 1024

BM = 128
NUM_TILES = 96
PAD = NUM_TILES * BM

NC, NS = 2, 16
NW = NC * NS




def _router_body(x_ref, g_ref, wa_ref, wb_ref, slot_ref, te_ref, tv_ref):
    logits = lax.dot_general(
        x_ref[...], g_ref[...], (((1,), (1,)), ((), ())),
        preferred_element_type=jnp.float32)
    iota = lax.broadcasted_iota(jnp.int32, (T, E), 1)
    m1 = jnp.max(logits, axis=-1, keepdims=True)
    a1 = jnp.min(jnp.where(logits == m1, iota, E), axis=-1, keepdims=True)
    l2 = jnp.where(iota == a1, -jnp.inf, logits)
    m2 = jnp.max(l2, axis=-1, keepdims=True)
    a2 = jnp.min(jnp.where(l2 == m2, iota, E), axis=-1, keepdims=True)
    r = jnp.exp(m2 - m1)
    wa_ref[...] = 1.0 / (1.0 + r)
    wb_ref[...] = r / (1.0 + r)

    oh1 = (iota == a1).astype(jnp.int32)
    oh2 = (iota == a2).astype(jnp.int32)
    oh = oh1 + oh2
    c = oh
    for s in (1, 2, 4, 8, 16, 32, 64, 128, 256, 512, 1024):
        c = c + jnp.concatenate(
            [jnp.zeros((s, E), jnp.int32), c[: T - s]], axis=0)
    c_excl = c - oh
    counts = c[T - 1 :, :]
    rank1 = jnp.sum(oh1 * c_excl, axis=1, keepdims=True)
    rank2 = jnp.sum(oh2 * c_excl, axis=1, keepdims=True)
    padded = ((counts + (BM - 1)) // BM) * BM
    ecol = lax.broadcasted_iota(jnp.int32, (E, E), 0)
    erow = lax.broadcasted_iota(jnp.int32, (E, E), 1)
    slt = (ecol < erow).astype(jnp.float32)
    off_f = lax.dot_general(padded.astype(jnp.float32), slt,
                            (((1,), (0,)), ((), ())),
                            preferred_element_type=jnp.float32)
    off = jnp.round(off_f).astype(jnp.int32)
    ends = off + padded
    total = ends[:, E - 1 :]
    so1 = lax.dot_general(oh1.astype(jnp.float32), off_f,
                          (((1,), (1,)), ((), ())),
                          preferred_element_type=jnp.float32)
    so2 = lax.dot_general(oh2.astype(jnp.float32), off_f,
                          (((1,), (1,)), ((), ())),
                          preferred_element_type=jnp.float32)
    slot1 = jnp.round(so1).astype(jnp.int32) + rank1
    slot2 = jnp.round(so2).astype(jnp.int32) + rank2
    slot_ref[...] = jnp.concatenate([slot1, slot2], axis=1)

    tile_start = lax.broadcasted_iota(jnp.int32, (NUM_TILES, 1), 0) * BM
    tile_e = jnp.sum((ends <= tile_start).astype(jnp.int32),
                     axis=1, keepdims=True)
    eids = lax.broadcasted_iota(jnp.int32, (1, E), 1)
    last_e = jnp.max(jnp.where(counts > 0, eids, 0), axis=1, keepdims=True)
    valid = (tile_start < total).astype(jnp.int32)
    te_ref[...] = jnp.where(valid == 1, tile_e, last_e)
    tv_ref[...] = valid


def _router(x, gate_w):
    return pl.pallas_call(
        _router_body,
        out_shape=(
            jax.ShapeDtypeStruct((T, 1), jnp.float32),
            jax.ShapeDtypeStruct((T, 1), jnp.float32),
            jax.ShapeDtypeStruct((T, K), jnp.int32),
            jax.ShapeDtypeStruct((NUM_TILES, 1), jnp.int32),
            jax.ShapeDtypeStruct((NUM_TILES, 1), jnp.int32),
        ),
    )(x, gate_w)




def _sc_dispatch_rows(x, tok, slot, chunk):
    n = T * K
    per_w = n // NW
    nchunks = per_w // chunk
    mesh = plsc.VectorSubcoreMesh(core_axis_name="c", subcore_axis_name="s")

    @functools.partial(
        pl.kernel, mesh=mesh,
        out_type=jax.ShapeDtypeStruct((PAD, D), jnp.float32),
        scratch_types=[
            pltpu.VMEM((chunk,), jnp.int32),
            pltpu.VMEM((chunk,), jnp.int32),
            pltpu.VMEM((chunk, D), jnp.float32),
            pltpu.SemaphoreType.DMA,
        ],
    )
    def k(x_hbm, tok_hbm, slot_hbm, out_hbm, tok_v, slot_v, rows_v, sem):
        wid = lax.axis_index("s") * NC + lax.axis_index("c")
        base = wid * per_w

        @pl.loop(0, nchunks)
        def _(i):
            b = base + i * chunk
            pltpu.sync_copy(tok_hbm.at[pl.ds(b, chunk)], tok_v)
            pltpu.sync_copy(slot_hbm.at[pl.ds(b, chunk)], slot_v)
            pltpu.async_copy(x_hbm.at[tok_v], rows_v, sem).wait()
            pltpu.async_copy(rows_v, out_hbm.at[slot_v], sem).wait()

    return k(x, tok, slot)




def _sc_gather_rows(table, idx, n_rows, chunk):
    per_w = n_rows // NW
    nchunks = per_w // chunk
    mesh = plsc.VectorSubcoreMesh(core_axis_name="c", subcore_axis_name="s")

    @functools.partial(
        pl.kernel, mesh=mesh,
        out_type=jax.ShapeDtypeStruct((n_rows, D), jnp.float32),
        scratch_types=[
            pltpu.VMEM((chunk,), jnp.int32),
            pltpu.VMEM((chunk, D), jnp.float32),
            pltpu.SemaphoreType.DMA,
        ],
    )
    def k(table_hbm, idx_hbm, out_hbm, idx_v, rows_v, sem):
        wid = lax.axis_index("s") * NC + lax.axis_index("c")
        base = wid * per_w

        @pl.loop(0, nchunks)
        def _(i):
            b = base + i * chunk
            pltpu.sync_copy(idx_hbm.at[pl.ds(b, chunk)], idx_v)
            pltpu.async_copy(table_hbm.at[idx_v], rows_v, sem).wait()
            pltpu.sync_copy(rows_v, out_hbm.at[pl.ds(b, chunk)])

    return k(table, idx)




def _mm_body(te_ref, tv_ref, xs_ref, w1_ref, w3_ref, w2_ref, out_ref):
    i = pl.program_id(0)

    @pl.when(tv_ref[i] == 1)
    def _():
        xs = xs_ref[...]
        a = lax.dot_general(xs, w1_ref[0], (((1,), (1,)), ((), ())),
                            preferred_element_type=jnp.float32)
        b = lax.dot_general(xs, w3_ref[0], (((1,), (1,)), ((), ())),
                            preferred_element_type=jnp.float32)
        h = (a * lax.logistic(a)) * b
        out_ref[...] = lax.dot_general(h, w2_ref[0], (((1,), (1,)), ((), ())),
                                       preferred_element_type=jnp.float32)


def _grouped_mlp(xs, w1, w3, w2, tile_expert, tile_valid):
    grid_spec = pltpu.PrefetchScalarGridSpec(
        num_scalar_prefetch=2,
        grid=(NUM_TILES,),
        in_specs=[
            pl.BlockSpec((BM, D), lambda i, te, tv: (i, 0)),
            pl.BlockSpec((1, F, D), lambda i, te, tv: (te[i], 0, 0)),
            pl.BlockSpec((1, F, D), lambda i, te, tv: (te[i], 0, 0)),
            pl.BlockSpec((1, D, F), lambda i, te, tv: (te[i], 0, 0)),
        ],
        out_specs=pl.BlockSpec((BM, D), lambda i, te, tv: (i, 0)),
    )
    return pl.pallas_call(
        _mm_body,
        grid_spec=grid_spec,
        out_shape=jax.ShapeDtypeStruct((PAD, D), jnp.float32),
    )(tile_expert, tile_valid, xs, w1, w3, w2)




def _add_body(a_ref, b_ref, wa_ref, wb_ref, o_ref):
    o_ref[...] = a_ref[...] * wa_ref[...] + b_ref[...] * wb_ref[...]


def _combine_add(yc2, wa, wb):
    return pl.pallas_call(
        _add_body,
        grid=(T // BM,),
        in_specs=[
            pl.BlockSpec((BM, D), lambda i: (i, 0)),
            pl.BlockSpec((BM, D), lambda i: (i, 1)),
            pl.BlockSpec((BM, 1), lambda i: (i, 0)),
            pl.BlockSpec((BM, 1), lambda i: (i, 0)),
        ],
        out_specs=pl.BlockSpec((BM, D), lambda i: (i, 0)),
        out_shape=jax.ShapeDtypeStruct((T, D), jnp.float32),
    )(yc2, yc2, wa, wb)




@jax.jit
def kernel(hidden_states, gate_w, w1, w3, w2):
    x = hidden_states.astype(jnp.float32)
    wa, wb, slot_pair, tile_expert, tile_valid = _router(x, gate_w)
    slot_flat = slot_pair.reshape(-1)
    tok = jnp.arange(T * K, dtype=jnp.int32) // K
    xs = _sc_dispatch_rows(x, tok, slot_flat, 64)
    ys = _grouped_mlp(xs, w1, w3, w2,
                      tile_expert.reshape(-1), tile_valid.reshape(-1))
    yc = _sc_gather_rows(ys, slot_flat, T * K, 64)
    return _combine_add(yc.reshape(T, 2 * D), wa, wb)

# --- scband reference (transcript-rebuilt; emitter-appended) ---
"""Pipeline reference for scband-mini-max-m2-mo-e-43233140801846 (READ-ONLY COPY).

The authoritative reference and input builder live on the scoring server;
editing this copy changes nothing except your own understanding.
"""

import jax, jax.numpy as jnp
import numpy as np

E = 64
K = 2
T, D, F = 2048, 1024, 1024


def setup_inputs(seed: int = 0) -> dict:
    key = jax.random.key(seed)
    ks = jax.random.split(key, 5)
    x = jax.random.normal(ks[0], (T, D), dtype=jnp.float32)
    gate_w = jax.random.normal(ks[1], (E, D), dtype=jnp.float32) * 0.02
    w1 = jax.random.normal(ks[2], (E, F, D), dtype=jnp.float32) * 0.02
    w3 = jax.random.normal(ks[3], (E, F, D), dtype=jnp.float32) * 0.02
    w2 = jax.random.normal(ks[4], (E, D, F), dtype=jnp.float32) * 0.02
    return {"hidden_states": x, "gate_w": gate_w, "w1": w1, "w3": w3, "w2": w2}


def reference(hidden_states, gate_w, w1, w3, w2):
    # router (ReplicatedLinear in fp32, no bias)
    logits = hidden_states.astype(jnp.float32) @ gate_w.T
    # TopK with softmax scoring + renormalize
    probs = jax.nn.softmax(logits, axis=-1)
    topk_w, topk_idx = jax.lax.top_k(probs, K)
    topk_w = topk_w / jnp.sum(topk_w, axis=-1, keepdims=True)
    out = jnp.zeros((T, D), dtype=jnp.float32)
    for e in range(E):
        w_e = jnp.sum(jnp.where(topk_idx == e, topk_w, 0.0), axis=-1)
        xe = hidden_states
        # SwiGLU expert MLP: w2 @ (silu(w1 x) * (w3 x))
        h = jax.nn.silu(xe @ w1[e].T) * (xe @ w3[e].T)
        ye = h @ w2[e].T
        out = out + w_e[:, None] * ye
    return out

if __name__ == "__main__":
    import jax
    _d = setup_inputs()
    print(jax.jit(kernel)(*tuple(_d.values())))

</pallas_src>

<mosaic_0001>
#map = affine_map<(d0, d1) -> (0, 0)>
#map1 = affine_map<(d0, d1) -> (0)>
module attributes {stable_mosaic.version = 14 : i64} {
  func.func @k(%arg0: i32, %arg1: i32, %arg2: memref<2048x1024xf32, #tpu.memory_space<hbm>>, %arg3: memref<4096xi32, #tpu.memory_space<hbm>>, %arg4: memref<4096xi32, #tpu.memory_space<hbm>>, %arg5: memref<12288x1024xf32, #tpu.memory_space<hbm>>, %arg6: memref<64xi32, #tpu.memory_space<vmem>>, %arg7: memref<64xi32, #tpu.memory_space<vmem>>, %arg8: memref<64x1024xf32, #tpu.memory_space<vmem>>, %arg9: memref<!tpu.dma_semaphore, #tpu.memory_space<semaphore_mem>>) attributes {dimension_semantics = [#tpu.dimension_semantics<core_parallel>, #tpu.dimension_semantics<subcore_parallel>], iteration_bounds = array<i64: 2, 16>, scalar_prefetch = 0 : i64, scratch_operands = 4 : i64, tpu.core_type = #tpu.core_type<sc_vector_subcore>, window_params = [{transform_indices = #map}, {transform_indices = #map1}, {transform_indices = #map1}, {transform_indices = #map}]} {
    %mul3A = arith.constant 2 : i32
    %mul3A_0 = arith.muli %arg1, %mul3A : i32
    %add3A = arith.addi %mul3A_0, %arg0 : i32
    %mul3A_1 = arith.constant 128 : i32
    %mul3A_2 = arith.muli %add3A, %mul3A_1 : i32
    %scan3A = arith.constant 0 : i32
    %scan3A_3 = arith.constant 2 : i32
    %scan3A_4 = arith.addi %scan3A, %scan3A_3 : i32
    %scan3A_5 = arith.constant 1 : i32
    scf.for %scan3A_7 = %scan3A to %scan3A_4 step %scan3A_5  : i32 {
      %mul3A_8 = arith.constant 1 : i32
      %mul3A_9 = arith.muli %scan3A_7, %mul3A_8 : i32
      %add3A_10 = arith.constant 0 : i32
      %add3A_11 = arith.addi %add3A_10, %mul3A_9 : i32
      %mul3A_12 = arith.constant 64 : i32
      %mul3A_13 = arith.muli %add3A_11, %mul3A_12 : i32
      %add3A_14 = arith.addi %mul3A_2, %mul3A_13 : i32
      "tpu.region"() ({
        %run_scoped3A = tpu.sem_alloc : memref<!tpu.dma_semaphore, #tpu.memory_space<semaphore_mem>>
        %dma_start3A_25 = tpu.memref_slice %arg3[%add3A_14] : memref<4096xi32, #tpu.memory_space<hbm>> -> memref<64xi32, #tpu.memory_space<hbm>>
        %dma_start3A_26 = tpu.memref_slice %arg3[%add3A_14] : memref<4096xi32, #tpu.memory_space<hbm>> -> memref<64xi32, #tpu.memory_space<hbm>>
        tpu.enqueue_dma source(%dma_start3A_26 : memref<64xi32, #tpu.memory_space<hbm>>) target(%arg6 : memref<64xi32, #tpu.memory_space<vmem>>) target_semaphore(%run_scoped3A : memref<!tpu.dma_semaphore, #tpu.memory_space<semaphore_mem>>)
        %dma_wait3A_27 = tpu.memref_slice %arg3[%add3A_14] : memref<4096xi32, #tpu.memory_space<hbm>> -> memref<64xi32, #tpu.memory_space<hbm>>
        %dma_wait3A_28 = tpu.memref_slice %arg3[%add3A_14] : memref<4096xi32, #tpu.memory_space<hbm>> -> memref<64xi32, #tpu.memory_space<hbm>>
        tpu.wait_dma2 semaphore(%run_scoped3A : memref<!tpu.dma_semaphore, #tpu.memory_space<semaphore_mem>>) src(%dma_wait3A_28 : memref<64xi32, #tpu.memory_space<hbm>>) dst(%arg6 : memref<64xi32, #tpu.memory_space<vmem>>)
        tpu.yield
      }) : () -> ()
      "tpu.region"() ({
        %run_scoped3A = tpu.sem_alloc : memref<!tpu.dma_semaphore, #tpu.memory_space<semaphore_mem>>
        %dma_start3A_25 = tpu.memref_slice %arg4[%add3A_14] : memref<4096xi32, #tpu.memory_space<hbm>> -> memref<64xi32, #tpu.memory_space<hbm>>
        %dma_start3A_26 = tpu.memref_slice %arg4[%add3A_14] : memref<4096xi32, #tpu.memory_space<hbm>> -> memref<64xi32, #tpu.memory_space<hbm>>
        tpu.enqueue_dma source(%dma_start3A_26 : memref<64xi32, #tpu.memory_space<hbm>>) target(%arg7 : memref<64xi32, #tpu.memory_space<vmem>>) target_semaphore(%run_scoped3A : memref<!tpu.dma_semaphore, #tpu.memory_space<semaphore_mem>>)
        %dma_wait3A_27 = tpu.memref_slice %arg4[%add3A_14] : memref<4096xi32, #tpu.memory_space<hbm>> -> memref<64xi32, #tpu.memory_space<hbm>>
        %dma_wait3A_28 = tpu.memref_slice %arg4[%add3A_14] : memref<4096xi32, #tpu.memory_space<hbm>> -> memref<64xi32, #tpu.memory_space<hbm>>
        tpu.wait_dma2 semaphore(%run_scoped3A : memref<!tpu.dma_semaphore, #tpu.memory_space<semaphore_mem>>) src(%dma_wait3A_28 : memref<64xi32, #tpu.memory_space<hbm>>) dst(%arg7 : memref<64xi32, #tpu.memory_space<vmem>>)
        tpu.yield
      }) : () -> ()
      %dma_start3A = arith.constant 0 : i32
      %dma_start3A_15 = arith.constant 0 : i32
      %dma_start3A_16 = tpu.memref_slice %arg2[%dma_start3A, %dma_start3A_15] : memref<2048x1024xf32, #tpu.memory_space<hbm>> -> memref<2048x1024xf32, #tpu.memory_space<hbm>>
      tpu.enqueue_indirect_dma source(%dma_start3A_16 : memref<2048x1024xf32, #tpu.memory_space<hbm>>) target(%arg8 : memref<64x1024xf32, #tpu.memory_space<vmem>>) offsets(%arg6 : memref<64xi32, #tpu.memory_space<vmem>>) semaphore(%arg9 : memref<!tpu.dma_semaphore, #tpu.memory_space<semaphore_mem>>)
      %dma_wait3A = arith.constant 0 : i32
      %dma_wait3A_17 = arith.constant 0 : i32
      %dma_wait3A_18 = tpu.memref_slice %arg2[%dma_wait3A, %dma_wait3A_17] : memref<2048x1024xf32, #tpu.memory_space<hbm>> -> memref<2048x1024xf32, #tpu.memory_space<hbm>>
      tpu.wait_indirect_dma semaphore(%arg9 : memref<!tpu.dma_semaphore, #tpu.memory_space<semaphore_mem>>) src(%dma_wait3A_18 : memref<2048x1024xf32, #tpu.memory_space<hbm>>) dst(%arg8 : memref<64x1024xf32, #tpu.memory_space<vmem>>)
      %dma_start3A_19 = arith.constant 0 : i32
      %dma_start3A_20 = arith.constant 0 : i32
      %dma_start3A_21 = tpu.memref_slice %arg5[%dma_start3A_19, %dma_start3A_20] : memref<12288x1024xf32, #tpu.memory_space<hbm>> -> memref<12288x1024xf32, #tpu.memory_space<hbm>>
      tpu.enqueue_indirect_dma source(%arg8 : memref<64x1024xf32, #tpu.memory_space<vmem>>) target(%dma_start3A_21 : memref<12288x1024xf32, #tpu.memory_space<hbm>>) offsets(%arg7 : memref<64xi32, #tpu.memory_space<vmem>>) semaphore(%arg9 : memref<!tpu.dma_semaphore, #tpu.memory_space<semaphore_mem>>)
      %dma_wait3A_22 = arith.constant 0 : i32
      %dma_wait3A_23 = arith.constant 0 : i32
      %dma_wait3A_24 = tpu.memref_slice %arg5[%dma_wait3A_22, %dma_wait3A_23] : memref<12288x1024xf32, #tpu.memory_space<hbm>> -> memref<12288x1024xf32, #tpu.memory_space<hbm>>
      tpu.wait_indirect_dma semaphore(%arg9 : memref<!tpu.dma_semaphore, #tpu.memory_space<semaphore_mem>>) src(%arg8 : memref<64x1024xf32, #tpu.memory_space<vmem>>) dst(%dma_wait3A_24 : memref<12288x1024xf32, #tpu.memory_space<hbm>>)
    }
    %scan3A_6 = arith.constant 2 : i32
    return
  }
}

#map = affine_map<(d0, d1) -> (0, 0)>
#map1 = affine_map<(d0, d1) -> (0)>
module attributes {stable_mosaic.version = 14 : i64} {
  func.func @k(%arg0: i32, %arg1: i32, %arg2: memref<12288x1024xf32, #tpu.memory_space<hbm>>, %arg3: memref<4096xi32, #tpu.memory_space<hbm>>, %arg4: memref<4096x1024xf32, #tpu.memory_space<hbm>>, %arg5: memref<64xi32, #tpu.memory_space<vmem>>, %arg6: memref<64x1024xf32, #tpu.memory_space<vmem>>, %arg7: memref<!tpu.dma_semaphore, #tpu.memory_space<semaphore_mem>>) attributes {dimension_semantics = [#tpu.dimension_semantics<core_parallel>, #tpu.dimension_semantics<subcore_parallel>], iteration_bounds = array<i64: 2, 16>, scalar_prefetch = 0 : i64, scratch_operands = 3 : i64, tpu.core_type = #tpu.core_type<sc_vector_subcore>, window_params = [{transform_indices = #map}, {transform_indices = #map1}, {transform_indices = #map}]} {
    %mul3A = arith.constant 2 : i32
    %mul3A_0 = arith.muli %arg1, %mul3A : i32
    %add3A = arith.addi %mul3A_0, %arg0 : i32
    %mul3A_1 = arith.constant 128 : i32
    %mul3A_2 = arith.muli %add3A, %mul3A_1 : i32
    %scan3A = arith.constant 0 : i32
    %scan3A_3 = arith.constant 2 : i32
    %scan3A_4 = arith.addi %scan3A, %scan3A_3 : i32
    %scan3A_5 = arith.constant 1 : i32
    scf.for %scan3A_7 = %scan3A to %scan3A_4 step %scan3A_5  : i32 {
      %mul3A_8 = arith.constant 1 : i32
      %mul3A_9 = arith.muli %scan3A_7, %mul3A_8 : i32
      %add3A_10 = arith.constant 0 : i32
      %add3A_11 = arith.addi %add3A_10, %mul3A_9 : i32
      %mul3A_12 = arith.constant 64 : i32
      %mul3A_13 = arith.muli %add3A_11, %mul3A_12 : i32
      %add3A_14 = arith.addi %mul3A_2, %mul3A_13 : i32
      "tpu.region"() ({
        %run_scoped3A = tpu.sem_alloc : memref<!tpu.dma_semaphore, #tpu.memory_space<semaphore_mem>>
        %dma_start3A_19 = tpu.memref_slice %arg3[%add3A_14] : memref<4096xi32, #tpu.memory_space<hbm>> -> memref<64xi32, #tpu.memory_space<hbm>>
        %dma_start3A_20 = tpu.memref_slice %arg3[%add3A_14] : memref<4096xi32, #tpu.memory_space<hbm>> -> memref<64xi32, #tpu.memory_space<hbm>>
        tpu.enqueue_dma source(%dma_start3A_20 : memref<64xi32, #tpu.memory_space<hbm>>) target(%arg5 : memref<64xi32, #tpu.memory_space<vmem>>) target_semaphore(%run_scoped3A : memref<!tpu.dma_semaphore, #tpu.memory_space<semaphore_mem>>)
        %dma_wait3A_21 = tpu.memref_slice %arg3[%add3A_14] : memref<4096xi32, #tpu.memory_space<hbm>> -> memref<64xi32, #tpu.memory_space<hbm>>
        %dma_wait3A_22 = tpu.memref_slice %arg3[%add3A_14] : memref<4096xi32, #tpu.memory_space<hbm>> -> memref<64xi32, #tpu.memory_space<hbm>>
        tpu.wait_dma2 semaphore(%run_scoped3A : memref<!tpu.dma_semaphore, #tpu.memory_space<semaphore_mem>>) src(%dma_wait3A_22 : memref<64xi32, #tpu.memory_space<hbm>>) dst(%arg5 : memref<64xi32, #tpu.memory_space<vmem>>)
        tpu.yield
      }) : () -> ()
      %dma_start3A = arith.constant 0 : i32
      %dma_start3A_15 = arith.constant 0 : i32
      %dma_start3A_16 = tpu.memref_slice %arg2[%dma_start3A, %dma_start3A_15] : memref<12288x1024xf32, #tpu.memory_space<hbm>> -> memref<12288x1024xf32, #tpu.memory_space<hbm>>
      tpu.enqueue_indirect_dma source(%dma_start3A_16 : memref<12288x1024xf32, #tpu.memory_space<hbm>>) target(%arg6 : memref<64x1024xf32, #tpu.memory_space<vmem>>) offsets(%arg5 : memref<64xi32, #tpu.memory_space<vmem>>) semaphore(%arg7 : memref<!tpu.dma_semaphore, #tpu.memory_space<semaphore_mem>>)
      %dma_wait3A = arith.constant 0 : i32
      %dma_wait3A_17 = arith.constant 0 : i32
      %dma_wait3A_18 = tpu.memref_slice %arg2[%dma_wait3A, %dma_wait3A_17] : memref<12288x1024xf32, #tpu.memory_space<hbm>> -> memref<12288x1024xf32, #tpu.memory_space<hbm>>
      tpu.wait_indirect_dma semaphore(%arg7 : memref<!tpu.dma_semaphore, #tpu.memory_space<semaphore_mem>>) src(%dma_wait3A_18 : memref<12288x1024xf32, #tpu.memory_space<hbm>>) dst(%arg6 : memref<64x1024xf32, #tpu.memory_space<vmem>>)
      "tpu.region"() ({
        %run_scoped3A = tpu.sem_alloc : memref<!tpu.dma_semaphore, #tpu.memory_space<semaphore_mem>>
        %dma_start3A_19 = arith.constant 0 : i32
        %dma_start3A_20 = tpu.memref_slice %arg4[%add3A_14, %dma_start3A_19] : memref<4096x1024xf32, #tpu.memory_space<hbm>> -> memref<64x1024xf32, #tpu.memory_space<hbm>>
        %dma_start3A_21 = arith.constant 0 : i32
        %dma_start3A_22 = tpu.memref_slice %arg4[%add3A_14, %dma_start3A_21] : memref<4096x1024xf32, #tpu.memory_space<hbm>> -> memref<64x1024xf32, #tpu.memory_space<hbm>>
        tpu.enqueue_dma source(%arg6 : memref<64x1024xf32, #tpu.memory_space<vmem>>) target(%dma_start3A_22 : memref<64x1024xf32, #tpu.memory_space<hbm>>) target_semaphore(%run_scoped3A : memref<!tpu.dma_semaphore, #tpu.memory_space<semaphore_mem>>)
        %dma_wait3A_23 = arith.constant 0 : i32
        %dma_wait3A_24 = tpu.memref_slice %arg4[%add3A_14, %dma_wait3A_23] : memref<4096x1024xf32, #tpu.memory_space<hbm>> -> memref<64x1024xf32, #tpu.memory_space<hbm>>
        %dma_wait3A_25 = arith.constant 0 : i32
        %dma_wait3A_26 = tpu.memref_slice %arg4[%add3A_14, %dma_wait3A_25] : memref<4096x1024xf32, #tpu.memory_space<hbm>> -> memref<64x1024xf32, #tpu.memory_space<hbm>>
        tpu.wait_dma2 semaphore(%run_scoped3A : memref<!tpu.dma_semaphore, #tpu.memory_space<semaphore_mem>>) src(%arg6 : memref<64x1024xf32, #tpu.memory_space<vmem>>) dst(%dma_wait3A_26 : memref<64x1024xf32, #tpu.memory_space<hbm>>)
        tpu.yield
      }) : () -> ()
    }
    %scan3A_6 = arith.constant 2 : i32
    return
  }
}

module attributes {stable_mosaic.version = 14 : i64} {
  func.func @_mm_body(%arg0: i32, %arg1: memref<96xi32, #tpu.memory_space<smem>>, %arg2: memref<96xi32, #tpu.memory_space<smem>>, %arg3: memref<128x1024xf32, #tpu.memory_space<vmem>>, %arg4: memref<1x1024x1024xf32, #tpu.memory_space<vmem>>, %arg5: memref<1x1024x1024xf32, #tpu.memory_space<vmem>>, %arg6: memref<1x1024x1024xf32, #tpu.memory_space<vmem>>, %arg7: memref<128x1024xf32, #tpu.memory_space<vmem>>) attributes {dimension_semantics = [#tpu.dimension_semantics<arbitrary>], iteration_bounds = array<i64: 96>, scalar_prefetch = 2 : i64, scratch_operands = 0 : i64, tpu.core_type = #tpu.core_type<tc>, window_params = [{transform_indices = @transform_0, window_bounds = array<i64: 128, 1024>}, {transform_indices = @transform_1, window_bounds = array<i64: 1, 1024, 1024>}, {transform_indices = @transform_2, window_bounds = array<i64: 1, 1024, 1024>}, {transform_indices = @transform_3, window_bounds = array<i64: 1, 1024, 1024>}, {transform_indices = @transform_4, window_bounds = array<i64: 128, 1024>}]} {
    %get3A = arith.index_cast %arg0 : i32 to index
    %get3A_0 = memref.load %arg2[%get3A] : memref<96xi32, #tpu.memory_space<smem>>
    %eq3A = arith.constant 1 : i32
    %eq3A_1 = arith.cmpi eq, %get3A_0, %eq3A : i32
    %convert_element_type3A = arith.extui %eq3A_1 : i1 to i32
    %cond3A = arith.constant 0 : i32
    %cond3A_2 = arith.cmpi ne, %convert_element_type3A, %cond3A : i32
    scf.if %cond3A_2 {
      %get3A_3 = arith.constant 0 : index
      %get3A_4 = arith.constant 0 : index
      %get3A_5 = vector.load %arg3[%get3A_3, %get3A_4] : memref<128x1024xf32, #tpu.memory_space<vmem>>, vector<128x1024xf32>
      %get3A_6 = arith.constant 0 : index
      %get3A_7 = arith.constant 0 : index
      %get3A_8 = arith.constant 0 : index
      %get3A_9 = vector.load %arg4[%get3A_6, %get3A_7, %get3A_8] : memref<1x1024x1024xf32, #tpu.memory_space<vmem>>, vector<1x1024x1024xf32>
      %get3A_10 = vector.shape_cast %get3A_9 : vector<1x1024x1024xf32> to vector<1024x1024xf32>
      %dot_general3A = arith.constant dense<0.000000e+00> : vector<128x1024xf32>
      %dot_general3A_11 = tpu.matmul %get3A_5, %get3A_10, %dot_general3A {dimension_numbers = #tpu.dot_dimension_numbers<[1], [1], [0], [0], [0, 0, 1, 0], [], []>, transpose_lhs_hint = false} : vector<128x1024xf32>, vector<1024x1024xf32>, vector<128x1024xf32> -> vector<128x1024xf32>
      %get3A_12 = arith.constant 0 : index
      %get3A_13 = arith.constant 0 : index
      %get3A_14 = arith.constant 0 : index
      %get3A_15 = vector.load %arg5[%get3A_12, %get3A_13, %get3A_14] : memref<1x1024x1024xf32, #tpu.memory_space<vmem>>, vector<1x1024x1024xf32>
      %get3A_16 = vector.shape_cast %get3A_15 : vector<1x1024x1024xf32> to vector<1024x1024xf32>
      %dot_general3A_17 = arith.constant dense<0.000000e+00> : vector<128x1024xf32>
      %dot_general3A_18 = tpu.matmul %get3A_5, %get3A_16, %dot_general3A_17 {dimension_numbers = #tpu.dot_dimension_numbers<[1], [1], [0], [0], [0, 0, 1, 0], [], []>, transpose_lhs_hint = false} : vector<128x1024xf32>, vector<1024x1024xf32>, vector<128x1024xf32> -> vector<128x1024xf32>
      %logistic3A = arith.negf %dot_general3A_11 : vector<128x1024xf32>
      %logistic3A_19 = math.exp %logistic3A : vector<128x1024xf32>
      %logistic3A_20 = arith.constant 1.000000e+00 : f32
      %logistic3A_21 = vector.broadcast %logistic3A_20 : f32 to vector<128x1024xf32>
      %logistic3A_22 = arith.addf %logistic3A_21, %logistic3A_19 : vector<128x1024xf32>
      %logistic3A_23 = arith.divf %logistic3A_21, %logistic3A_22 : vector<128x1024xf32>
      %mul3A = arith.mulf %dot_general3A_11, %logistic3A_23 : vector<128x1024xf32>
      %mul3A_24 = arith.mulf %mul3A, %dot_general3A_18 : vector<128x1024xf32>
      %get3A_25 = arith.constant 0 : index
      %get3A_26 = arith.constant 0 : index
      %get3A_27 = arith.constant 0 : index
      %get3A_28 = vector.load %arg6[%get3A_25, %get3A_26, %get3A_27] : memref<1x1024x1024xf32, #tpu.memory_space<vmem>>, vector<1x1024x1024xf32>
      %get3A_29 = vector.shape_cast %get3A_28 : vector<1x1024x1024xf32> to vector<1024x1024xf32>
      %dot_general3A_30 = arith.constant dense<0.000000e+00> : vector<128x1024xf32>
      %dot_general3A_31 = tpu.matmul %mul3A_24, %get3A_29, %dot_general3A_30 {dimension_numbers = #tpu.dot_dimension_numbers<[1], [1], [0], [0], [0, 0, 1, 0], [], []>, transpose_lhs_hint = false} : vector<128x1024xf32>, vector<1024x1024xf32>, vector<128x1024xf32> -> vector<128x1024xf32>
      %swap3A = arith.constant 0 : index
      %swap3A_32 = arith.constant 0 : index
      %swap3A_33 = vector.load %arg7[%swap3A, %swap3A_32] : memref<128x1024xf32, #tpu.memory_space<vmem>>, vector<128x1024xf32>
      tpu.vector_store %arg7[%swap3A, %swap3A_32], %dot_general3A_31 {strides = array<i32>} : memref<128x1024xf32, #tpu.memory_space<vmem>>, vector<128x1024xf32>,
    } else {
    }
    return
  }
  func.func @transform_0(%arg0: i32, %arg1: memref<96xi32, #tpu.memory_space<smem>>, %arg2: memref<96xi32, #tpu.memory_space<smem>>) -> (i32, i32) {
    %c0_i32 = arith.constant 0 : i32
    %c0_i32_0 = arith.constant 0 : i32
    return %arg0, %c0_i32 : i32, i32
  }
  func.func @transform_1(%arg0: i32, %arg1: memref<96xi32, #tpu.memory_space<smem>>, %arg2: memref<96xi32, #tpu.memory_space<smem>>) -> (i32, i32, i32) {
    %get3A = arith.index_cast %arg0 : i32 to index
    %get3A_0 = memref.load %arg1[%get3A] : memref<96xi32, #tpu.memory_space<smem>>
    %c0_i32 = arith.constant 0 : i32
    %c0_i32_1 = arith.constant 0 : i32
    %c0_i32_2 = arith.constant 0 : i32
    return %get3A_0, %c0_i32, %c0_i32_1 : i32, i32, i32
  }
  func.func @transform_2(%arg0: i32, %arg1: memref<96xi32, #tpu.memory_space<smem>>, %arg2: memref<96xi32, #tpu.memory_space<smem>>) -> (i32, i32, i32) {
    %get3A = arith.index_cast %arg0 : i32 to index
    %get3A_0 = memref.load %arg1[%get3A] : memref<96xi32, #tpu.memory_space<smem>>
    %c0_i32 = arith.constant 0 : i32
    %c0_i32_1 = arith.constant 0 : i32
    %c0_i32_2 = arith.constant 0 : i32
    return %get3A_0, %c0_i32, %c0_i32_1 : i32, i32, i32
  }
  func.func @transform_3(%arg0: i32, %arg1: memref<96xi32, #tpu.memory_space<smem>>, %arg2: memref<96xi32, #tpu.memory_space<smem>>) -> (i32, i32, i32) {
    %get3A = arith.index_cast %arg0 : i32 to index
    %get3A_0 = memref.load %arg1[%get3A] : memref<96xi32, #tpu.memory_space<smem>>
    %c0_i32 = arith.constant 0 : i32
    %c0_i32_1 = arith.constant 0 : i32
    %c0_i32_2 = arith.constant 0 : i32
    return %get3A_0, %c0_i32, %c0_i32_1 : i32, i32, i32
  }
  func.func @transform_4(%arg0: i32, %arg1: memref<96xi32, #tpu.memory_space<smem>>, %arg2: memref<96xi32, #tpu.memory_space<smem>>) -> (i32, i32) {
    %c0_i32 = arith.constant 0 : i32
    %c0_i32_0 = arith.constant 0 : i32
    return %arg0, %c0_i32 : i32, i32
  }
}

module attributes {stable_mosaic.version = 14 : i64} {
  func.func @_router_body(%arg0: memref<2048x1024xf32, #tpu.memory_space<vmem>>, %arg1: memref<64x1024xf32, #tpu.memory_space<vmem>>, %arg2: memref<2048x1xf32, #tpu.memory_space<vmem>>, %arg3: memref<2048x1xf32, #tpu.memory_space<vmem>>, %arg4: memref<2048x2xi32, #tpu.memory_space<vmem>>, %arg5: memref<96x1xi32, #tpu.memory_space<vmem>>, %arg6: memref<96x1xi32, #tpu.memory_space<vmem>>) attributes {dimension_semantics = [], scalar_prefetch = 0 : i64, scratch_operands = 0 : i64, tpu.core_type = #tpu.core_type<tc>} {
    %get3A = arith.constant 0 : index
    %get3A_0 = arith.constant 0 : index
    %get3A_1 = vector.load %arg0[%get3A, %get3A_0] : memref<2048x1024xf32, #tpu.memory_space<vmem>>, vector<2048x1024xf32>
    %get3A_2 = arith.constant 0 : index
    %get3A_3 = arith.constant 0 : index
    %get3A_4 = vector.load %arg1[%get3A_2, %get3A_3] : memref<64x1024xf32, #tpu.memory_space<vmem>>, vector<64x1024xf32>
    %dot_general3A = arith.constant dense<0.000000e+00> : vector<2048x64xf32>
    %dot_general3A_5 = tpu.matmul %get3A_1, %get3A_4, %dot_general3A {dimension_numbers = #tpu.dot_dimension_numbers<[1], [1], [0], [0], [0, 0, 1, 0], [], []>, transpose_lhs_hint = false} : vector<2048x1024xf32>, vector<64x1024xf32>, vector<2048x64xf32> -> vector<2048x64xf32>
    %iota3A = tpu.iota {dimensions = array<i32: 1>} : vector<2048x64xi32>
    %reduce_max3A = arith.constant dense<0xFF800000> : vector<2048xf32>
    %reduce_max3A_6 = vector.multi_reduction <maximumf>, %dot_general3A_5, %reduce_max3A [1] : vector<2048x64xf32> to vector<2048xf32>
    %broadcast_in_dim3A = vector.shape_cast %reduce_max3A_6 : vector<2048xf32> to vector<2048x1xf32>
    %eq3A = vector.broadcast %broadcast_in_dim3A : vector<2048x1xf32> to vector<2048x64xf32>
    %eq3A_7 = arith.cmpf oeq, %dot_general3A_5, %eq3A : vector<2048x64xf32>
    %jit3A = arith.constant 64 : i32
    %broadcast_in_dim3A_8 = vector.broadcast %jit3A : i32 to vector<2048x64xi32>
    %select_n3A = arith.select %eq3A_7, %iota3A, %broadcast_in_dim3A_8 : vector<2048x64xi1>, vector<2048x64xi32>
    %reduce_min3A = arith.constant dense<2147483647> : vector<2048xi32>
    %reduce_min3A_9 = vector.multi_reduction <minsi>, %select_n3A, %reduce_min3A [1] : vector<2048x64xi32> to vector<2048xi32>
    %broadcast_in_dim3A_10 = vector.shape_cast %reduce_min3A_9 : vector<2048xi32> to vector<2048x1xi32>
    %eq3A_11 = vector.broadcast %broadcast_in_dim3A_10 : vector<2048x1xi32> to vector<2048x64xi32>
    %eq3A_12 = arith.cmpi eq, %iota3A, %eq3A_11 : vector<2048x64xi32>
    %jit3A_13 = arith.constant 0xFF800000 : f32
    %broadcast_in_dim3A_14 = vector.broadcast %jit3A_13 : f32 to vector<2048x64xf32>
    %select_n3A_15 = arith.select %eq3A_12, %broadcast_in_dim3A_14, %dot_general3A_5 : vector<2048x64xi1>, vector<2048x64xf32>
    %reduce_max3A_16 = arith.constant dense<0xFF800000> : vector<2048xf32>
    %reduce_max3A_17 = vector.multi_reduction <maximumf>, %select_n3A_15, %reduce_max3A_16 [1] : vector<2048x64xf32> to vector<2048xf32>
    %broadcast_in_dim3A_18 = vector.shape_cast %reduce_max3A_17 : vector<2048xf32> to vector<2048x1xf32>
    %eq3A_19 = vector.broadcast %broadcast_in_dim3A_18 : vector<2048x1xf32> to vector<2048x64xf32>
    %eq3A_20 = arith.cmpf oeq, %select_n3A_15, %eq3A_19 : vector<2048x64xf32>
    %jit3A_21 = arith.constant 64 : i32
    %broadcast_in_dim3A_22 = vector.broadcast %jit3A_21 : i32 to vector<2048x64xi32>
    %select_n3A_23 = arith.select %eq3A_20, %iota3A, %broadcast_in_dim3A_22 : vector<2048x64xi1>, vector<2048x64xi32>
    %reduce_min3A_24 = arith.constant dense<2147483647> : vector<2048xi32>
    %reduce_min3A_25 = vector.multi_reduction <minsi>, %select_n3A_23, %reduce_min3A_24 [1] : vector<2048x64xi32> to vector<2048xi32>
    %broadcast_in_dim3A_26 = vector.shape_cast %reduce_min3A_25 : vector<2048xi32> to vector<2048x1xi32>
    %sub3A = arith.subf %broadcast_in_dim3A_18, %broadcast_in_dim3A : vector<2048x1xf32>
    %exp3A = math.exp %sub3A : vector<2048x1xf32>
    %add3A = arith.constant 1.000000e+00 : f32
    %add3A_27 = vector.broadcast %add3A : f32 to vector<2048x1xf32>
    %add3A_28 = arith.addf %add3A_27, %exp3A : vector<2048x1xf32>
    %div3A = arith.constant 1.000000e+00 : f32
    %div3A_29 = vector.broadcast %div3A : f32 to vector<2048x1xf32>
    %div3A_30 = arith.divf %div3A_29, %add3A_28 : vector<2048x1xf32>
    %swap3A = arith.constant 0 : index
    %swap3A_31 = arith.constant 0 : index
    %swap3A_32 = vector.load %arg2[%swap3A, %swap3A_31] : memref<2048x1xf32, #tpu.memory_space<vmem>>, vector<2048x1xf32>
    tpu.vector_store %arg2[%swap3A, %swap3A_31], %div3A_30 {strides = array<i32>} : memref<2048x1xf32, #tpu.memory_space<vmem>>, vector<2048x1xf32>,
    %add3A_33 = arith.constant 1.000000e+00 : f32
    %add3A_34 = vector.broadcast %add3A_33 : f32 to vector<2048x1xf32>
    %add3A_35 = arith.addf %add3A_34, %exp3A : vector<2048x1xf32>
    %div3A_36 = arith.divf %exp3A, %add3A_35 : vector<2048x1xf32>
    %swap3A_37 = arith.constant 0 : index
    %swap3A_38 = arith.constant 0 : index
    %swap3A_39 = vector.load %arg3[%swap3A_37, %swap3A_38] : memref<2048x1xf32, #tpu.memory_space<vmem>>, vector<2048x1xf32>
    tpu.vector_store %arg3[%swap3A_37, %swap3A_38], %div3A_36 {strides = array<i32>} : memref<2048x1xf32, #tpu.memory_space<vmem>>, vector<2048x1xf32>,
    %eq3A_40 = vector.broadcast %broadcast_in_dim3A_10 : vector<2048x1xi32> to vector<2048x64xi32>
    %eq3A_41 = arith.cmpi eq, %iota3A, %eq3A_40 : vector<2048x64xi32>
    %convert_element_type3A = arith.extui %eq3A_41 : vector<2048x64xi1> to vector<2048x64xi32>
    %eq3A_42 = vector.broadcast %broadcast_in_dim3A_26 : vector<2048x1xi32> to vector<2048x64xi32>
    %eq3A_43 = arith.cmpi eq, %iota3A, %eq3A_42 : vector<2048x64xi32>
    %convert_element_type3A_44 = arith.extui %eq3A_43 : vector<2048x64xi1> to vector<2048x64xi32>
    %add3A_45 = arith.addi %convert_element_type3A, %convert_element_type3A_44 : vector<2048x64xi32>
    %broadcast_in_dim3A_46 = arith.constant 0 : i32
    %broadcast_in_dim3A_47 = vector.broadcast %broadcast_in_dim3A_46 : i32 to vector<1x64xi32>
    %slice3A = vector.extract_strided_slice %add3A_45 {offsets = [0, 0], sizes = [2047, 64], strides = [1, 1]} : vector<2048x64xi32> to vector<2047x64xi32>
    %concatenate3A = tpu.concatenate %broadcast_in_dim3A_47, %slice3A in 0 : vector<1x64xi32>, vector<2047x64xi32> -> vector<2048x64xi32>
    %add3A_48 = arith.addi %add3A_45, %concatenate3A : vector<2048x64xi32>
    %broadcast_in_dim3A_49 = arith.constant 0 : i32
    %broadcast_in_dim3A_50 = vector.broadcast %broadcast_in_dim3A_49 : i32 to vector<2x64xi32>
    %slice3A_51 = vector.extract_strided_slice %add3A_48 {offsets = [0, 0], sizes = [2046, 64], strides = [1, 1]} : vector<2048x64xi32> to vector<2046x64xi32>
    %concatenate3A_52 = tpu.concatenate %broadcast_in_dim3A_50, %slice3A_51 in 0 : vector<2x64xi32>, vector<2046x64xi32> -> vector<2048x64xi32>
    %add3A_53 = arith.addi %add3A_48, %concatenate3A_52 : vector<2048x64xi32>
    %broadcast_in_dim3A_54 = arith.constant 0 : i32
    %broadcast_in_dim3A_55 = vector.broadcast %broadcast_in_dim3A_54 : i32 to vector<4x64xi32>
    %slice3A_56 = vector.extract_strided_slice %add3A_53 {offsets = [0, 0], sizes = [2044, 64], strides = [1, 1]} : vector<2048x64xi32> to vector<2044x64xi32>
    %concatenate3A_57 = tpu.concatenate %broadcast_in_dim3A_55, %slice3A_56 in 0 : vector<4x64xi32>, vector<2044x64xi32> -> vector<2048x64xi32>
    %add3A_58 = arith.addi %add3A_53, %concatenate3A_57 : vector<2048x64xi32>
    %broadcast_in_dim3A_59 = arith.constant 0 : i32
    %broadcast_in_dim3A_60 = vector.broadcast %broadcast_in_dim3A_59 : i32 to vector<8x64xi32>
    %slice3A_61 = vector.extract_strided_slice %add3A_58 {offsets = [0, 0], sizes = [2040, 64], strides = [1, 1]} : vector<2048x64xi32> to vector<2040x64xi32>
    %concatenate3A_62 = tpu.concatenate %broadcast_in_dim3A_60, %slice3A_61 in 0 : vector<8x64xi32>, vector<2040x64xi32> -> vector<2048x64xi32>
    %add3A_63 = arith.addi %add3A_58, %concatenate3A_62 : vector<2048x64xi32>
    %broadcast_in_dim3A_64 = arith.constant 0 : i32
    %broadcast_in_dim3A_65 = vector.broadcast %broadcast_in_dim3A_64 : i32 to vector<16x64xi32>
    %slice3A_66 = vector.extract_strided_slice %add3A_63 {offsets = [0, 0], sizes = [2032, 64], strides = [1, 1]} : vector<2048x64xi32> to vector<2032x64xi32>
    %concatenate3A_67 = tpu.concatenate %broadcast_in_dim3A_65, %slice3A_66 in 0 : vector<16x64xi32>, vector<2032x64xi32> -> vector<2048x64xi32>
    %add3A_68 = arith.addi %add3A_63, %concatenate3A_67 : vector<2048x64xi32>
    %broadcast_in_dim3A_69 = arith.constant 0 : i32
    %broadcast_in_dim3A_70 = vector.broadcast %broadcast_in_dim3A_69 : i32 to vector<32x64xi32>
    %slice3A_71 = vector.extract_strided_slice %add3A_68 {offsets = [0, 0], sizes = [2016, 64], strides = [1, 1]} : vector<2048x64xi32> to vector<2016x64xi32>
    %concatenate3A_72 = tpu.concatenate %broadcast_in_dim3A_70, %slice3A_71 in 0 : vector<32x64xi32>, vector<2016x64xi32> -> vector<2048x64xi32>
    %add3A_73 = arith.addi %add3A_68, %concatenate3A_72 : vector<2048x64xi32>
    %broadcast_in_dim3A_74 = arith.constant 0 : i32
    %broadcast_in_dim3A_75 = vector.broadcast %broadcast_in_dim3A_74 : i32 to vector<64x64xi32>
    %slice3A_76 = vector.extract_strided_slice %add3A_73 {offsets = [0, 0], sizes = [1984, 64], strides = [1, 1]} : vector<2048x64xi32> to vector<1984x64xi32>
    %concatenate3A_77 = tpu.concatenate %broadcast_in_dim3A_75, %slice3A_76 in 0 : vector<64x64xi32>, vector<1984x64xi32> -> vector<2048x64xi32>
    %add3A_78 = arith.addi %add3A_73, %concatenate3A_77 : vector<2048x64xi32>
    %broadcast_in_dim3A_79 = arith.constant 0 : i32
    %broadcast_in_dim3A_80 = vector.broadcast %broadcast_in_dim3A_79 : i32 to vector<128x64xi32>
    %slice3A_81 = vector.extract_strided_slice %add3A_78 {offsets = [0, 0], sizes = [1920, 64], strides = [1, 1]} : vector<2048x64xi32> to vector<1920x64xi32>
    %concatenate3A_82 = tpu.concatenate %broadcast_in_dim3A_80, %slice3A_81 in 0 : vector<128x64xi32>, vector<1920x64xi32> -> vector<2048x64xi32>
    %add3A_83 = arith.addi %add3A_78, %concatenate3A_82 : vector<2048x64xi32>
    %broadcast_in_dim3A_84 = arith.constant 0 : i32
    %broadcast_in_dim3A_85 = vector.broadcast %broadcast_in_dim3A_84 : i32 to vector<256x64xi32>
    %slice3A_86 = vector.extract_strided_slice %add3A_83 {offsets = [0, 0], sizes = [1792, 64], strides = [1, 1]} : vector<2048x64xi32> to vector<1792x64xi32>
    %concatenate3A_87 = tpu.concatenate %broadcast_in_dim3A_85, %slice3A_86 in 0 : vector<256x64xi32>, vector<1792x64xi32> -> vector<2048x64xi32>
    %add3A_88 = arith.addi %add3A_83, %concatenate3A_87 : vector<2048x64xi32>
    %broadcast_in_dim3A_89 = arith.constant 0 : i32
    %broadcast_in_dim3A_90 = vector.broadcast %broadcast_in_dim3A_89 : i32 to vector<512x64xi32>
    %slice3A_91 = vector.extract_strided_slice %add3A_88 {offsets = [0, 0], sizes = [1536, 64], strides = [1, 1]} : vector<2048x64xi32> to vector<1536x64xi32>
    %concatenate3A_92 = tpu.concatenate %broadcast_in_dim3A_90, %slice3A_91 in 0 : vector<512x64xi32>, vector<1536x64xi32> -> vector<2048x64xi32>
    %add3A_93 = arith.addi %add3A_88, %concatenate3A_92 : vector<2048x64xi32>
    %broadcast_in_dim3A_94 = arith.constant 0 : i32
    %broadcast_in_dim3A_95 = vector.broadcast %broadcast_in_dim3A_94 : i32 to vector<1024x64xi32>
    %slice3A_96 = vector.extract_strided_slice %add3A_93 {offsets = [0, 0], sizes = [1024, 64], strides = [1, 1]} : vector<2048x64xi32> to vector<1024x64xi32>
    %concatenate3A_97 = tpu.concatenate %broadcast_in_dim3A_95, %slice3A_96 in 0 : vector<1024x64xi32>, vector<1024x64xi32> -> vector<2048x64xi32>
    %add3A_98 = arith.addi %add3A_93, %concatenate3A_97 : vector<2048x64xi32>
    %sub3A_99 = arith.subi %add3A_98, %add3A_45 : vector<2048x64xi32>
    %slice3A_100 = vector.extract_strided_slice %add3A_98 {offsets = [2047, 0], sizes = [1, 64], strides = [1, 1]} : vector<2048x64xi32> to vector<1x64xi32>
    %mul3A = arith.muli %convert_element_type3A, %sub3A_99 : vector<2048x64xi32>
    %reduce_sum3A = arith.constant dense<0> : vector<2048xi32>
    %reduce_sum3A_101 = vector.multi_reduction <add>, %mul3A, %reduce_sum3A [1] : vector<2048x64xi32> to vector<2048xi32>
    %broadcast_in_dim3A_102 = vector.shape_cast %reduce_sum3A_101 : vector<2048xi32> to vector<2048x1xi32>
    %mul3A_103 = arith.muli %convert_element_type3A_44, %sub3A_99 : vector<2048x64xi32>
    %reduce_sum3A_104 = arith.constant dense<0> : vector<2048xi32>
    %reduce_sum3A_105 = vector.multi_reduction <add>, %mul3A_103, %reduce_sum3A_104 [1] : vector<2048x64xi32> to vector<2048xi32>
    %broadcast_in_dim3A_106 = vector.shape_cast %reduce_sum3A_105 : vector<2048xi32> to vector<2048x1xi32>
    %add3A_107 = arith.constant 127 : i32
    %add3A_108 = vector.broadcast %add3A_107 : i32 to vector<1x64xi32>
    %add3A_109 = arith.addi %slice3A_100, %add3A_108 : vector<1x64xi32>
    %jit3A_110 = arith.constant 128 : i32
    %div3A_111 = vector.broadcast %jit3A_110 : i32 to vector<1x64xi32>
    %div3A_112 = arith.divsi %add3A_109, %div3A_111 : vector<1x64xi32>
    %sign3A = arith.constant 0 : i32
    %sign3A_113 = vector.broadcast %sign3A : i32 to vector<1x64xi32>
    %sign3A_114 = arith.cmpi sgt, %add3A_109, %sign3A_113 : vector<1x64xi32>
    %sign3A_115 = arith.extui %sign3A_114 : vector<1x64xi1> to vector<1x64xi32>
    %sign3A_116 = arith.constant 0 : i32
    %sign3A_117 = vector.broadcast %sign3A_116 : i32 to vector<1x64xi32>
    %sign3A_118 = arith.cmpi slt, %add3A_109, %sign3A_117 : vector<1x64xi32>
    %sign3A_119 = arith.extui %sign3A_118 : vector<1x64xi1> to vector<1x64xi32>
    %sign3A_120 = arith.subi %sign3A_115, %sign3A_119 : vector<1x64xi32>
    %sign3A_121 = arith.constant 0 : i32
    %sign3A_122 = arith.cmpi sgt, %jit3A_110, %sign3A_121 : i32
    %sign3A_123 = arith.extui %sign3A_122 : i1 to i32
    %sign3A_124 = arith.constant 0 : i32
    %sign3A_125 = arith.cmpi slt, %jit3A_110, %sign3A_124 : i32
    %sign3A_126 = arith.extui %sign3A_125 : i1 to i32
    %sign3A_127 = arith.subi %sign3A_123, %sign3A_126 : i32
    %ne3A = vector.broadcast %sign3A_127 : i32 to vector<1x64xi32>
    %ne3A_128 = arith.cmpi ne, %sign3A_120, %ne3A : vector<1x64xi32>
    %rem3A = vector.broadcast %jit3A_110 : i32 to vector<1x64xi32>
    %rem3A_129 = arith.remsi %add3A_109, %rem3A : vector<1x64xi32>
    %ne3A_130 = arith.constant 0 : i32
    %ne3A_131 = vector.broadcast %ne3A_130 : i32 to vector<1x64xi32>
    %ne3A_132 = arith.cmpi ne, %rem3A_129, %ne3A_131 : vector<1x64xi32>
    %and3A = arith.andi %ne3A_128, %ne3A_132 : vector<1x64xi1>
    %sub3A_133 = arith.constant 1 : i32
    %sub3A_134 = vector.broadcast %sub3A_133 : i32 to vector<1x64xi32>
    %sub3A_135 = arith.subi %div3A_112, %sub3A_134 : vector<1x64xi32>
    %select_n3A_136 = arith.select %and3A, %sub3A_135, %div3A_112 : vector<1x64xi1>, vector<1x64xi32>
    %mul3A_137 = arith.constant 128 : i32
    %mul3A_138 = vector.broadcast %mul3A_137 : i32 to vector<1x64xi32>
    %mul3A_139 = arith.muli %select_n3A_136, %mul3A_138 : vector<1x64xi32>
    %iota3A_140 = tpu.iota {dimensions = array<i32: 0>} : vector<64x64xi32>
    %iota3A_141 = tpu.iota {dimensions = array<i32: 1>} : vector<64x64xi32>
    %lt3A = arith.cmpi slt, %iota3A_140, %iota3A_141 : vector<64x64xi32>
    %convert_element_type3A_142 = arith.extui %lt3A : vector<64x64xi1> to vector<64x64xi32>
    %convert_element_type3A_143 = arith.sitofp %convert_element_type3A_142 : vector<64x64xi32> to vector<64x64xf32>
    %convert_element_type3A_144 = arith.sitofp %mul3A_139 : vector<1x64xi32> to vector<1x64xf32>
    %dot_general3A_145 = arith.constant dense<0.000000e+00> : vector<1x64xf32>
    %dot_general3A_146 = tpu.matmul %convert_element_type3A_144, %convert_element_type3A_143, %dot_general3A_145 {dimension_numbers = #tpu.dot_dimension_numbers<[1], [0], [0], [1], [0, 0, 1, 1], [], []>, transpose_lhs_hint = false} : vector<1x64xf32>, vector<64x64xf32>, vector<1x64xf32> -> vector<1x64xf32>
    %round3A = math.roundeven %dot_general3A_146 : vector<1x64xf32>
    %convert_element_type3A_147 = arith.fptosi %round3A : vector<1x64xf32> to vector<1x64xi32>
    %add3A_148 = arith.addi %convert_element_type3A_147, %mul3A_139 : vector<1x64xi32>
    %slice3A_149 = vector.extract_strided_slice %add3A_148 {offsets = [0, 63], sizes = [1, 1], strides = [1, 1]} : vector<1x64xi32> to vector<1x1xi32>
    %convert_element_type3A_150 = arith.sitofp %convert_element_type3A : vector<2048x64xi32> to vector<2048x64xf32>
    %dot_general3A_151 = arith.constant dense<0.000000e+00> : vector<2048x1xf32>
    %dot_general3A_152 = tpu.matmul %convert_element_type3A_150, %dot_general3A_146, %dot_general3A_151 {dimension_numbers = #tpu.dot_dimension_numbers<[1], [1], [0], [0], [0, 0, 1, 0], [], []>, transpose_lhs_hint = false} : vector<2048x64xf32>, vector<1x64xf32>, vector<2048x1xf32> -> vector<2048x1xf32>
    %convert_element_type3A_153 = arith.sitofp %convert_element_type3A_44 : vector<2048x64xi32> to vector<2048x64xf32>
    %dot_general3A_154 = arith.constant dense<0.000000e+00> : vector<2048x1xf32>
    %dot_general3A_155 = tpu.matmul %convert_element_type3A_153, %dot_general3A_146, %dot_general3A_154 {dimension_numbers = #tpu.dot_dimension_numbers<[1], [1], [0], [0], [0, 0, 1, 0], [], []>, transpose_lhs_hint = false} : vector<2048x64xf32>, vector<1x64xf32>, vector<2048x1xf32> -> vector<2048x1xf32>
    %round3A_156 = math.roundeven %dot_general3A_152 : vector<2048x1xf32>
    %convert_element_type3A_157 = arith.fptosi %round3A_156 : vector<2048x1xf32> to vector<2048x1xi32>
    %add3A_158 = arith.addi %convert_element_type3A_157, %broadcast_in_dim3A_102 : vector<2048x1xi32>
    %round3A_159 = math.roundeven %dot_general3A_155 : vector<2048x1xf32>
    %convert_element_type3A_160 = arith.fptosi %round3A_159 : vector<2048x1xf32> to vector<2048x1xi32>
    %add3A_161 = arith.addi %convert_element_type3A_160, %broadcast_in_dim3A_106 : vector<2048x1xi32>
    %concatenate3A_162 = tpu.concatenate %add3A_158, %add3A_161 in 1 : vector<2048x1xi32>, vector<2048x1xi32> -> vector<2048x2xi32>
    %swap3A_163 = arith.constant 0 : index
    %swap3A_164 = arith.constant 0 : index
    %swap3A_165 = vector.load %arg4[%swap3A_163, %swap3A_164] : memref<2048x2xi32, #tpu.memory_space<vmem>>, vector<2048x2xi32>
    tpu.vector_store %arg4[%swap3A_163, %swap3A_164], %concatenate3A_162 {strides = array<i32>} : memref<2048x2xi32, #tpu.memory_space<vmem>>, vector<2048x2xi32>,
    %iota3A_166 = tpu.iota {dimensions = array<i32: 0>} : vector<96x1xi32>
    %mul3A_167 = arith.constant 128 : i32
    %mul3A_168 = vector.broadcast %mul3A_167 : i32 to vector<96x1xi32>
    %mul3A_169 = arith.muli %iota3A_166, %mul3A_168 : vector<96x1xi32>
    %le3A = vector.broadcast %add3A_148 : vector<1x64xi32> to vector<96x64xi32>
    %le3A_170 = vector.broadcast %mul3A_169 : vector<96x1xi32> to vector<96x64xi32>
    %le3A_171 = arith.cmpi sle, %le3A, %le3A_170 : vector<96x64xi32>
    %convert_element_type3A_172 = arith.extui %le3A_171 : vector<96x64xi1> to vector<96x64xi32>
    %reduce_sum3A_173 = arith.constant dense<0> : vector<96xi32>
    %reduce_sum3A_174 = vector.multi_reduction <add>, %convert_element_type3A_172, %reduce_sum3A_173 [1] : vector<96x64xi32> to vector<96xi32>
    %broadcast_in_dim3A_175 = vector.shape_cast %reduce_sum3A_174 : vector<96xi32> to vector<96x1xi32>
    %iota3A_176 = tpu.iota {dimensions = array<i32: 1>} : vector<1x64xi32>
    %gt3A = arith.constant 0 : i32
    %gt3A_177 = vector.broadcast %gt3A : i32 to vector<1x64xi32>
    %gt3A_178 = arith.cmpi sgt, %slice3A_100, %gt3A_177 : vector<1x64xi32>
    %jit3A_179 = arith.constant 0 : i32
    %broadcast_in_dim3A_180 = vector.broadcast %jit3A_179 : i32 to vector<1x64xi32>
    %select_n3A_181 = arith.select %gt3A_178, %iota3A_176, %broadcast_in_dim3A_180 : vector<1x64xi1>, vector<1x64xi32>
    %reduce_max3A_182 = arith.constant dense<-2147483648> : vector<1xi32>
    %reduce_max3A_183 = vector.multi_reduction <maxsi>, %select_n3A_181, %reduce_max3A_182 [1] : vector<1x64xi32> to vector<1xi32>
    %broadcast_in_dim3A_184 = vector.shape_cast %reduce_max3A_183 : vector<1xi32> to vector<1x1xi32>
    %lt3A_185 = vector.broadcast %slice3A_149 : vector<1x1xi32> to vector<96x1xi32>
    %lt3A_186 = arith.cmpi slt, %mul3A_169, %lt3A_185 : vector<96x1xi32>
    %convert_element_type3A_187 = arith.extui %lt3A_186 : vector<96x1xi1> to vector<96x1xi32>
    %eq3A_188 = arith.constant 1 : i32
    %eq3A_189 = vector.broadcast %eq3A_188 : i32 to vector<96x1xi32>
    %eq3A_190 = arith.cmpi eq, %convert_element_type3A_187, %eq3A_189 : vector<96x1xi32>
    %broadcast_in_dim3A_191 = vector.shape_cast %broadcast_in_dim3A_184 : vector<1x1xi32> to vector<1x1xi32>
    %broadcast_in_dim3A_192 = vector.broadcast %broadcast_in_dim3A_191 : vector<1x1xi32> to vector<96x1xi32>
    %select_n3A_193 = arith.select %eq3A_190, %broadcast_in_dim3A_175, %broadcast_in_dim3A_192 : vector<96x1xi1>, vector<96x1xi32>
    %swap3A_194 = arith.constant 0 : index
    %swap3A_195 = arith.constant 0 : index
    %swap3A_196 = vector.load %arg5[%swap3A_194, %swap3A_195] : memref<96x1xi32, #tpu.memory_space<vmem>>, vector<96x1xi32>
    tpu.vector_store %arg5[%swap3A_194, %swap3A_195], %select_n3A_193 {strides = array<i32>} : memref<96x1xi32, #tpu.memory_space<vmem>>, vector<96x1xi32>,
    %swap3A_197 = arith.constant 0 : index
    %swap3A_198 = arith.constant 0 : index
    %swap3A_199 = vector.load %arg6[%swap3A_197, %swap3A_198] : memref<96x1xi32, #tpu.memory_space<vmem>>, vector<96x1xi32>
    tpu.vector_store %arg6[%swap3A_197, %swap3A_198], %convert_element_type3A_187 {strides = array<i32>} : memref<96x1xi32, #tpu.memory_space<vmem>>, vector<96x1xi32>,
    return
  }
}

module attributes {stable_mosaic.version = 14 : i64} {
  func.func @_add_body(%arg0: i32, %arg1: memref<128x1024xf32, #tpu.memory_space<vmem>>, %arg2: memref<128x1024xf32, #tpu.memory_space<vmem>>, %arg3: memref<128x1xf32, #tpu.memory_space<vmem>>, %arg4: memref<128x1xf32, #tpu.memory_space<vmem>>, %arg5: memref<128x1024xf32, #tpu.memory_space<vmem>>) attributes {dimension_semantics = [#tpu.dimension_semantics<arbitrary>], iteration_bounds = array<i64: 16>, scalar_prefetch = 0 : i64, scratch_operands = 0 : i64, tpu.core_type = #tpu.core_type<tc>, window_params = [{transform_indices = @transform_0, window_bounds = array<i64: 128, 1024>}, {transform_indices = @transform_1, window_bounds = array<i64: 128, 1024>}, {transform_indices = @transform_2, window_bounds = array<i64: 128, 1>}, {transform_indices = @transform_3, window_bounds = array<i64: 128, 1>}, {transform_indices = @transform_4, window_bounds = array<i64: 128, 1024>}]} {
    %get3A = arith.constant 0 : index
    %get3A_0 = arith.constant 0 : index
    %get3A_1 = vector.load %arg1[%get3A, %get3A_0] : memref<128x1024xf32, #tpu.memory_space<vmem>>, vector<128x1024xf32>
    %get3A_2 = arith.constant 0 : index
    %get3A_3 = arith.constant 0 : index
    %get3A_4 = vector.load %arg3[%get3A_2, %get3A_3] : memref<128x1xf32, #tpu.memory_space<vmem>>, vector<128x1xf32>
    %mul3A = vector.broadcast %get3A_4 : vector<128x1xf32> to vector<128x1024xf32>
    %mul3A_5 = arith.mulf %get3A_1, %mul3A : vector<128x1024xf32>
    %get3A_6 = arith.constant 0 : index
    %get3A_7 = arith.constant 0 : index
    %get3A_8 = vector.load %arg2[%get3A_6, %get3A_7] : memref<128x1024xf32, #tpu.memory_space<vmem>>, vector<128x1024xf32>
    %get3A_9 = arith.constant 0 : index
    %get3A_10 = arith.constant 0 : index
    %get3A_11 = vector.load %arg4[%get3A_9, %get3A_10] : memref<128x1xf32, #tpu.memory_space<vmem>>, vector<128x1xf32>
    %mul3A_12 = vector.broadcast %get3A_11 : vector<128x1xf32> to vector<128x1024xf32>
    %mul3A_13 = arith.mulf %get3A_8, %mul3A_12 : vector<128x1024xf32>
    %add3A = arith.addf %mul3A_5, %mul3A_13 : vector<128x1024xf32>
    %swap3A = arith.constant 0 : index
    %swap3A_14 = arith.constant 0 : index
    %swap3A_15 = vector.load %arg5[%swap3A, %swap3A_14] : memref<128x1024xf32, #tpu.memory_space<vmem>>, vector<128x1024xf32>
    tpu.vector_store %arg5[%swap3A, %swap3A_14], %add3A {strides = array<i32>} : memref<128x1024xf32, #tpu.memory_space<vmem>>, vector<128x1024xf32>,
    return
  }
  func.func @transform_0(%arg0: i32) -> (i32, i32) {
    %c0_i32 = arith.constant 0 : i32
    %c0_i32_0 = arith.constant 0 : i32
    return %arg0, %c0_i32 : i32, i32
  }
  func.func @transform_1(%arg0: i32) -> (i32, i32) {
    %c1_i32 = arith.constant 1 : i32
    %c0_i32 = arith.constant 0 : i32
    return %arg0, %c1_i32 : i32, i32
  }
  func.func @transform_2(%arg0: i32) -> (i32, i32) {
    %c0_i32 = arith.constant 0 : i32
    %c0_i32_0 = arith.constant 0 : i32
    return %arg0, %c0_i32 : i32, i32
  }
  func.func @transform_3(%arg0: i32) -> (i32, i32) {
    %c0_i32 = arith.constant 0 : i32
    %c0_i32_0 = arith.constant 0 : i32
    return %arg0, %c0_i32 : i32, i32
  }
  func.func @transform_4(%arg0: i32) -> (i32, i32) {
    %c0_i32 = arith.constant 0 : i32
    %c0_i32_0 = arith.constant 0 : i32
    return %arg0, %c0_i32 : i32, i32
  }
}

</mosaic_0001>

<sc_bundles>
// kernel: kernel.10.cloned.1.call-start
scs
__scs_entry_jumppad:
0x0: {  	(pc) =	sbr.rel $0x88, $3  }
0x1: {  	(tag) =	ssettag $0x0;
	lr =	simm.s32 $0x1  }
0x2: {  	[smem:$0x3F9C] =	sst lr;
	_ =	strace $0xD0000000  }
0x3: {  	_ = 	snop  }
0x4: {  	_ = 	snop  }
0x5: {  	_ = 	snop  }
0x6: {  	_ = 	snop  }
0x7: {  	_ = 	snop  }
__scs_overlays_trampoline_lowered:
0x8: {  	[smem:$0x3FAB] =	sst s0  }
0x9: {  	[smem:$0x3FAC] =	sst s1  }
0xa: {  	[smem:$0x3FAD] =	sst s2  }
0xb: {  	[smem:$0x3FAE] =	sst s3  }
0xc: {  	[smem:$0x3FAF] =	sst s4  }
0xd: {  	[smem:$0x3FB0] =	sst s5  }
0xe: {  	[smem:$0x3FB1] =	sst s6  }
0xf: {  	[smem:$0x3FB2] =	sst s7  }
0x10: {  	[smem:$0x3FB3] =	sst s8  }
0x11: {  	[smem:$0x3FB4] =	sst s9;
	s0 =	simm.s32 @!p0 $0x0  }
0x12: {  	s1 =	sld [smem:$0x3F9A];
	s0 =	simm.s32 @p0 $0x1  }
0x13: {  	[smem:$0x3FB5] =	sst s0;
	s0 =	simm.s32 @!p1 $0x0  }
0x14: {  	s2 =	sld [smem:$0x3F99];
	s0 =	simm.s32 @p1 $0x1  }
0x15: {  	[smem:$0x3FB6] =	sst s0;
	s0 =	simm.s32 @!p2 $0x0  }
0x16: {  	s3 =	sld [smem:$0x3FDB];
	s0 =	simm.s32 @p2 $0x1  }
0x17: {  	s4 =	simm.s32 $0x1BF5;
	[smem:$0x3FB8] =	sst s0  }
0x18: {  	s0 =	sld [smem:$0x3F9B];
	_ =	swait.ge [sflag:s4], $0x0  }
0x19: {  	s7 =	sld [smem:$0x3F9C]  }
0x1a: {  	s8 =	sadd.s32 $0xFFFFE003, lr  }
0x1b: {  	s9 =	sadd.s32 $0xFFFFFEF7, lr;
	s5 =	simm.s32 $0xFFFFFFFF;
	p2 =	slt.u32 s8, $0xFFFFF086  }
0x1c: {  	p1 =	slt.u32 s9, $0xF7A;
	s5 =	simm.s32 @!p2 $0x0  }
0x1d: {  	s5 =	simm.s32 @p1 $0x1;
	p0 =	seq.s32 s7, s2  }
0x1e: {  	s7 =	smul.u32 @!p0 $0xF7A, s2;
	p2 =	seq.s32 @!p0 s5, $0x0  }
0x1f: {  	s9 =	smul.u32 $0xF7A, s1;
	s8 =	simm.s32 @!p0 $0x1BF5;
	p2 =	por !p2, p0  }
0x20: {  	[sflag:s8] =	ssyncset.s32 @!p0 $0xFFFFF086;
	s6 =	sadd.s32 @!p0 s3, s7;
	s7 =	simm.s32 @!p0 $0x108  }
0x21: {  	s3 =	sadd.s32 s3, s9;
	s6 =	sadd.s32 @!p0 $0x88, s6;
	s7 =	simm.s32 @p2 $0x1082  }
0x22: {  	[simem:s7], [sflag:s8] =	dma.local @!p0 [hbm:s6], $0xF7A  }
0x23: {  	s9 =	sor.u32 $0xD0000000, s2;
	s6 =	simm.s32 $0x108;
	_ =	swait.ge @!p0 [sflag:s8], $0x0  }
0x24: {  	s3 =	sadd.s32 $0x88, s3;
	s6 =	simm.s32 @!p1 $0x1082;
	[sflag:s4] =	ssyncset.s32 $0xFFFFF086  }
0x25: {  	[simem:s6], [sflag:s4] =	dma.local [hbm:s3], $0xF7A  }
0x26: {  	[smem:$0x3F9C] =	sst s1;
	(tag) =	ssettag s2;
	_ =	strace s9  }
0x27: {  	s1 =	sld [smem:$0x3FAC]  }
0x28: {  	s2 =	sld [smem:$0x3FAD]  }
0x29: {  	s4 =	sld [smem:$0x3FAF]  }
0x2a: {  	p0 =	seq.s32 s5, $0x0;
	s5 =	sld [smem:$0x3FB0]  }
0x2b: {  	s6 =	sld [smem:$0x3FB1]  }
0x2c: {  	s7 =	sld [smem:$0x3FB2]  }
0x2d: {  	s3 =	simm.s32 $0x108;
	s8 =	sld [smem:$0x3FB3]  }
0x2e: {  	s3 =	simm.s32 @!p0 $0x1082;
	s9 =	sld [smem:$0x3FB4]  }
0x2f: {  	lr =	sadd.s32 s0, s3;
	s0 =	sld [smem:$0x3FAB]  }
0x30: {  	s3 =	sld [smem:$0x3FAE]  }
0x31: {  	[smem:$0x3FB7] =	sst s10  }
0x32: {  	s10 =	sld [smem:$0x3FB5];
	_ =	sdelay $0x3  }
0x33: {  	p0 =	seq.s32 s10, $0x1;
	s10 =	sld [smem:$0x3FB7];
	_ =	sdelay $0x3  }
0x34: {  	[smem:$0x3FB7] =	sst s10  }
0x35: {  	s10 =	sld [smem:$0x3FB6];
	_ =	sdelay $0x3  }
0x36: {  	p1 =	seq.s32 s10, $0x1;
	s10 =	sld [smem:$0x3FB7];
	_ =	sdelay $0x3  }
0x37: {  	[smem:$0x3FB7] =	sst s10  }
0x38: {  	s10 =	sld [smem:$0x3FB8]  }
0x39: {  	_ = 	snop;
	(pc) =	sbr.ind lr, $3  }
0x3a: {  	_ = 	snop  }
0x3b: {  	_ = 	snop  }
0x3c: {  	p2 =	seq.s32 s10, $0x1;
	s10 =	sld [smem:$0x3FB7]  }
0x3d: {  	_ =	shalt  }
0x3e: {  	_ =	shalt  }
0x3f: {  	_ =	shalt  }
0x40: {  	_ =	shalt  }
0x41: {  	_ =	shalt  }
0x42: {  	_ =	shalt  }
0x43: {  	_ =	shalt  }
0x44: {  	_ =	shalt  }
0x45: {  	_ =	shalt  }
0x46: {  	_ =	shalt  }
0x47: {  	_ =	shalt  }
0x48: {  	_ =	shalt  }
0x49: {  	_ =	shalt  }
0x4a: {  	_ =	shalt  }
0x4b: {  	_ =	shalt  }
0x4c: {  	_ =	shalt  }
0x4d: {  	_ =	shalt  }
0x4e: {  	_ =	shalt  }
0x4f: {  	_ =	shalt  }
0x50: {  	_ =	shalt  }
0x51: {  	_ =	shalt  }
0x52: {  	_ =	shalt  }
0x53: {  	_ =	shalt  }
0x54: {  	_ =	shalt  }
0x55: {  	_ =	shalt  }
0x56: {  	_ =	shalt  }
0x57: {  	_ =	shalt  }
0x58: {  	_ =	shalt  }
0x59: {  	_ =	shalt  }
0x5a: {  	_ =	shalt  }
0x5b: {  	_ =	shalt  }
0x5c: {  	_ =	shalt  }
0x5d: {  	_ =	shalt  }
0x5e: {  	_ =	shalt  }
0x5f: {  	_ =	shalt  }
0x60: {  	_ =	shalt  }
0x61: {  	_ =	shalt  }
0x62: {  	_ =	shalt  }
0x63: {  	_ =	shalt  }
0x64: {  	_ =	shalt  }
0x65: {  	_ =	shalt  }
0x66: {  	_ =	shalt  }
0x67: {  	_ =	shalt  }
0x68: {  	_ =	shalt  }
0x69: {  	_ =	shalt  }
0x6a: {  	_ =	shalt  }
0x6b: {  	_ =	shalt  }
0x6c: {  	_ =	shalt  }
0x6d: {  	_ =	shalt  }
0x6e: {  	_ =	shalt  }
0x6f: {  	_ =	shalt  }
0x70: {  	_ =	shalt  }
0x71: {  	_ =	shalt  }
0x72: {  	_ =	shalt  }
0x73: {  	_ =	shalt  }
0x74: {  	_ =	shalt  }
0x75: {  	_ =	shalt  }
0x76: {  	_ =	shalt  }
0x77: {  	_ =	shalt  }
0x78: {  	_ =	shalt  }
0x79: {  	_ =	shalt  }
0x7a: {  	_ =	shalt  }
0x7b: {  	_ =	shalt  }
0x7c: {  	_ =	shalt  }
0x7d: {  	_ =	shalt  }
0x7e: {  	_ =	shalt  }
0x7f: {  	_ =	shalt  }
0x80: {  	_ =	shalt  }
0x81: {  	_ =	shalt  }
0x82: {  	_ =	shalt  }
0x83: {  	_ =	shalt  }
0x84: {  	_ =	shalt  }
0x85: {  	_ =	shalt  }
0x86: {  	_ =	shalt  }
0x87: {  	_ =	shalt  }
.Lfunc_end0:
.L_simem_size_0:
called_computation.1_lowered:
.L_overlay_start_0:
0x88: {  	s2 =	sld [smem:$0x3FD9]  }
0x89: {  	s3 =	sld [smem:$0x3FFE];
	_ =	sdelay $0x1  }
0x8a: {  	s1 =	srdreg.scid  }
0x8b: {  	s0 =	sand.u32 $0x1, s1  }
0x8c: {  	s16 =	sshll.u32 s0, $0xA;
	s2 =	sadd.s32 s3, s2  }
0x8d: {  	s2 =	sadd.s32 s2, s16  }
0x8e: {  	[smem:$0x3FC3] =	sst s2  }
0x8f: {  	_ = 	snop  }
0x90: {  	(tm) =	ssettm $0x1  }
0x91: {  	s17 =	sld [smem:$0x3FFB];
	_ =	sdelay $0x3  }
0x92: {  	_ =	strace s17  }
0x93: {  	s2 =	sld [smem:$0x3FFC];
	_ =	sdelay $0x3  }
0x94: {  	_ =	strace s2  }
0x95: {  	s2 =	sld [smem:$0x3FFD];
	_ =	sdelay $0x3  }
0x96: {  	_ =	strace s2  }
0x97: {  	_ =	strace $0x8FFFFFFF  }
0x98: {  	s18 =	sld [smem:$0x3FDB];
	_ =	sdelay $0x1  }
0x99: {  	s19 =	simm.s32 $_scs_section_size  }
0x9a: {  	s4 =	simm.s32 $_size__tile_overlayer_lowered;
	s5 =	simm.s32 $_tile_overlayer_lowered  }
0x9b: {  	s22 =	simm.s32 $0x1BFF;
	s21 =	sshll.u32 s5, $0x1;
	s2 =	sadd.s32 s19, s18  }
0x9c: {  	s6 =	simm.s32 $0x0;
	s20 =	sshll.u32 s4, $0x1;
	s4 =	sadd.s32 s21, s2  }
0x9d: {  	[timem:s6], [sflag:s22] =	dma.local [hbm:s4], s20  }
0x9e: {  	_ =	swait.ge [sflag:s22], s20  }
0x9f: {  	s3 =	ssub.s32 $0x0, s20;
	[sflag:s22] =	ssyncset.done $0x0  }
0xa0: {  	[sflag:s22] =	ssyncadd.s32 s3;
	_ =	sdelay $0x1  }
0xa1: {  	s23 =	simm.s32 $0x1B8B  }
0xa2: {  	_ =	swait.ge [sflag:s23], $0x1  }
0xa3: {  	[sflag:s23] =	ssyncset.done $0x0  }
0xa4: {  	s25 =	simm.s32 $0x1B8E;
	s24 =	sld [smem:$0x3FFE];
	[sflag:s23] =	ssyncadd.s32 $0xFFFFFFFF  }
0xa5: {  	s26 =	simm.s32 $execute0_lowered;
	[smem:$0x3FD2] =	sst s25  }
0xa6: {  	s4 =	sshll.u32 s26, $0x1;
	_ =	strace $0x80000049;
	[dreg:$0x1] =	wrdreg $0xFFFFFFFF  }
0xa7: {  	s28 =	simm.s32 $_size_execute0_lowered;
	s2 =	sadd.s32 s2, s4;
	[dreg:$0x0] =	wrdreg $0x0  }
0xa8: {  	s4 =	sshll.u32 s28, $0x1;
	[dreg:$0x2] =	wrdreg s2  }
0xa9: {  	[dreg:$0x3] =	wrdreg s4  }
0xaa: {  	[dreg:$0x4] =	wrdreg $0xC0  }
0xab: {  	_ =	task [dreg:s6], $0x5FFFF  }
0xac: {  	[dreg:$0x1] =	wrdreg $0xFFFFFFFF  }
0xad: {  	[dreg:$0x0] =	wrdreg $0x60  }
0xae: {  	[dreg:$0x2] =	wrdreg s24  }
0xaf: {  	[dreg:$0x3] =	wrdreg $0x9  }
0xb0: {  	_ =	task.clear_ibuf [dreg:s6], $0x4FFFF;
	_ =	strace $0x90000049  }
0xb1: {  	s29 =	simm.s32 $0x9;
	_ =	strace $0x8000004B  }
0xb2: {  	_ =	swait.ge [sflag:s29], $0x1  }
0xb3: {  	[sflag:s29] =	ssyncadd.s32 $0xFFFFFFFF  }
0xb4: {  	_ =	strace $0x9000004B  }
0xb5: {  	_ =	sfence  }
0xb6: {  	s30 =	sld [smem:$0x0];
	_ =	sdelay $0x2  }
0xb7: {  	s31 =	sshll.u32 s1, $0xD;
	s1 =	sshrl.u32 s1, $0x2  }
0xb8: {  	s3 =	sand.u32 $0x4000, s31;
	s1 =	sadd.s32 s1, s30  }
0xb9: {  	s0 =	sor.u32 s3, s0;
	s1 =	sshll.u32 s1, $0x11  }
0xba: {  	s0 =	sor.u32 s1, s0  }
0xbb: {  	s0 =	sadd.s32 $0x8F2B, s0  }
0xbc: {  	[sflag:s0] =	ssyncadd.remote.s32 $0x1  }
0xbd: {  	_ =	sfence.sel $0xFFFF  }
0xbe: {  	[dreg:$0x0] =	wrdreg $0xFFFFFFFF;
	(pc) =	sbr.abs _section_cstart, $3  }
0xbf: {  	[dreg:$0x1] =	wrdreg $0xFFFFFFFF  }
0xc0: {  	_ =	task.clear_ibuf [dreg:s6], $0x2FFFF;
	_ =	strace $0x9FFFFFFF  }
0xc1: {  	(tm) =	ssettm $0x7FFFFFFF  }
tec
execute0_lowered:
.L_overlay_start_1:
0x0: {  	(tag) =	ssettag $0x1  }
0x1: {  	s0 =	rddreg [dreg:$0x0]  }
0x2: {  	s1 =	simm.s32 $0x0;
	s2 =	srdreg.scid;
	s8 =	stileid.u32  }
0x3: {  	s11 =	simm.s32 $0x2;
	s12 =	simm.s32 $0x80;
	s28 =	simm.s32 $0x7880  }
0x4: {  	s29 =	simm.s32 $0x8080;
	s30 =	simm.s32 $0x8880;
	s31 =	simm.s32 $0x9080  }
0x5: {  	s13 =	simm.s32 $0xB080;
	s14 =	simm.s32 $0xB880;
	s15 =	simm.s32 $0xC080  }
0x6: {  	s16 =	simm.s32 $0xC880;
	s17 =	simm.s32 $0xD080;
	s18 =	simm.s32 $0xD880  }
0x7: {  	s19 =	simm.s32 $0xE080;
	s20 =	simm.s32 $0xE880;
	s21 =	simm.s32 $0xF080  }
0x8: {  	s22 =	simm.s32 $0xF880;
	s23 =	simm.s32 $0x1;
	[smem:$0x7FF] =	sst s1  }
0x9: {  	s2 =	sand.u32 $0x1, s2;
	s3 =	sadd.s32 $0x189000, s0;
	s4 =	sadd.s32 $0x8E00, s0  }
0xa: {  	s5 =	sadd.s32 $0x9000, s0;
	s25 =	sshll.u32 s8, $0x8;
	s6 =	ssub.s32 $0x2, s2  }
0xb: {  	s8 =	sadd.s32 $0x189200, s0;
	s9 =	sadd.s32 $0x189300, s0;
	s7 =	sshrl.u32 s6, $0x1  }
0xc: {  	_ =	strace $0x8000004A;
	s2 =	sshll.u32 s2, $0x7;
	s10 =	ssub.s32 s6, s7  }
0xd: {  	v2 =	vlaneseq.u32;
	s6 =	sadd.s32 $0x189100, s0;
	s7 =	sor.u32 s2, s25;
	s0 =	simm.s32 $0x9880  }
0xe: {  	vm0 =	vmmov $0xffff;
	v1 =	vshrl.u32 v2, $0x3;
	s2 =	simm.s32 $0xA080;
	s25 =	simm.s32 $0x0;
	s26 =	smax.u32 s10, $0x1  }
0xf: {  	v0 =	vand.u32 $0x7, v2;
	v2 =	vor.u32 $0x8, v2;
	v1 =	vmul.u32 $0x8, v1;
	s10 =	simm.s32 $0xA880;
	[dreg:$0x2] =	wrdreg s26;
	s26 =	simm.s32 $0x7080  }
.LBB2_1:
0x10: {  	[dreg:$0x3] =	wrdreg s25;
	p0 =	por $0x1, $0x1;
	s24 =	simm.s32 $0x0  }
.LBB2_2:
0x11: {  	s24 =	sor.u32 s7, s24  }
0x12: {  	s25 =	sshrl.u32 s24, $0x3  }
0x13: {  	s25 =	sadd.s32 s4, s25  }
0x14: {  	[tilespmem:s1], [sflag:$0x2] =	stream.linear.gather [hbm4b:s25+s1], $0x40, $0x38;
	[tilespmem:$0x10080] =	vst v63  }
0x15: {  	_ =	swait.ge [sflag:s11], $0x40  }
0x16: {  	[sflag:s11] =	ssyncset.done $0x0  }
0x17: {  	[sflag:s11] =	ssyncadd.s32 $0xFFFFFFC0  }
0x18: {  	v3 =	vld [tilespmem:$0x0];
	_ =	sdelay $0x4  }
0x19: {  	v4 =	vshll.u32 v3, $0x3  }
0x1a: {  	v3 =	vand.u32 $0x7, v3;
	v4 =	vand.u32 $0xFFFFFFC0, v4  }
0x1b: {  	v3 =	vor.u32 v3, v4  }
0x1c: {  	v4 =	vperm.xlane v3, v0;
	_ =	sdelay $0x1  }
0x1d: {  	v4 =	vadd.s32 v1, v4;
	_ =	sdelay $0x4  }
0x1e: {  	[tilespmem:s12], [sflag:$0x1] =	stream.indirect_vreg.gather [hbm4b:s3+s1], $0x80, v4, vm0, $0xb8;
	[tilespmem:$0x10080] =	vst v63  }
0x1f: {  	s25 =	simm.s32 $0x880;
	v3 =	vperm.xlane v3, v2  }
0x20: {  	[tilespmem:s25], [sflag:$0x1] =	stream.indirect_vreg.gather [hbm4b:s6+s1], $0x80, v4, vm0, $0xb8;
	[tilespmem:$0x10080] =	vst v63  }
0x21: {  	v3 =	vadd.s32 v1, v3;
	s25 =	simm.s32 $0x1080  }
0x22: {  	[tilespmem:s25], [sflag:$0x1] =	stream.indirect_vreg.gather [hbm4b:s8+s1], $0x80, v4, vm0, $0xb8;
	[tilespmem:$0x10080] =	vst v63  }
0x23: {  	s25 =	simm.s32 $0x1880  }
0x24: {  	[tilespmem:s25], [sflag:$0x1] =	stream.indirect_vreg.gather [hbm4b:s9+s1], $0x80, v4, vm0, $0xb8;
	[tilespmem:$0x10080] =	vst v63  }
0x25: {  	s25 =	simm.s32 $0x2080  }
0x26: {  	[tilespmem:s25], [sflag:$0x1] =	stream.indirect_vreg.gather [hbm4b:s3+s1], $0x80, v3, vm0, $0xb8;
	[tilespmem:$0x10080] =	vst v63  }
0x27: {  	s25 =	simm.s32 $0x2880  }
0x28: {  	[tilespmem:s25], [sflag:$0x1] =	stream.indirect_vreg.gather [hbm4b:s6+s1], $0x80, v3, vm0, $0xb8;
	[tilespmem:$0x10080] =	vst v63  }
0x29: {  	s25 =	simm.s32 $0x3080  }
0x2a: {  	[tilespmem:s25], [sflag:$0x1] =	stream.indirect_vreg.gather [hbm4b:s8+s1], $0x80, v3, vm0, $0xb8;
	[tilespmem:$0x10080] =	vst v63  }
0x2b: {  	s25 =	simm.s32 $0x3880  }
0x2c: {  	[tilespmem:s25], [sflag:$0x1] =	stream.indirect_vreg.gather [hbm4b:s9+s1], $0x80, v3, vm0, $0xb8;
	[tilespmem:$0x10080] =	vst v63  }
0x2d: {  	v3 =	vld [tilespmem:$0x10];
	_ =	sdelay $0x4  }
0x2e: {  	v61 =	vshll.u32 v3, $0x3  }
0x2f: {  	v3 =	vand.u32 $0x7, v3;
	v4 =	vand.u32 $0xFFFFFFC0, v61  }
0x30: {  	v3 =	vor.u32 v3, v4  }
0x31: {  	v4 =	vperm.xlane v3, v0;
	_ =	sdelay $0x1  }
0x32: {  	v4 =	vadd.s32 v1, v4;
	_ =	sdelay $0x3  }
0x33: {  	s25 =	simm.s32 $0x4080  }
0x34: {  	[tilespmem:s25], [sflag:$0x1] =	stream.indirect_vreg.gather [hbm4b:s3+s1], $0x80, v4, vm0, $0xb8;
	[tilespmem:$0x10080] =	vst v63  }
0x35: {  	v3 =	vperm.xlane v3, v2;
	s25 =	simm.s32 $0x4880  }
0x36: {  	[tilespmem:s25], [sflag:$0x1] =	stream.indirect_vreg.gather [hbm4b:s6+s1], $0x80, v4, vm0, $0xb8;
	[tilespmem:$0x10080] =	vst v63  }
0x37: {  	v3 =	vadd.s32 v1, v3;
	s25 =	simm.s32 $0x5080  }
0x38: {  	[tilespmem:s25], [sflag:$0x1] =	stream.indirect_vreg.gather [hbm4b:s8+s1], $0x80, v4, vm0, $0xb8;
	[tilespmem:$0x10080] =	vst v63  }
0x39: {  	s25 =	simm.s32 $0x5880  }
0x3a: {  	[tilespmem:s25], [sflag:$0x1] =	stream.indirect_vreg.gather [hbm4b:s9+s1], $0x80, v4, vm0, $0xb8;
	[tilespmem:$0x10080] =	vst v63  }
0x3b: {  	s25 =	simm.s32 $0x6080  }
0x3c: {  	[tilespmem:s25], [sflag:$0x1] =	stream.indirect_vreg.gather [hbm4b:s3+s1], $0x80, v3, vm0, $0xb8;
	[tilespmem:$0x10080] =	vst v63  }
0x3d: {  	s25 =	simm.s32 $0x6880  }
0x3e: {  	[tilespmem:s25], [sflag:$0x1] =	stream.indirect_vreg.gather [hbm4b:s6+s1], $0x80, v3, vm0, $0xb8;
	[tilespmem:$0x10080] =	vst v63  }
0x3f: {  	_ = 	snop  }
0x40: {  	[tilespmem:s26], [sflag:$0x1] =	stream.indirect_vreg.gather [hbm4b:s8+s1], $0x80, v3, vm0, $0xb8;
	[tilespmem:$0x10080] =	vst v63  }
0x41: {  	_ = 	snop  }
0x42: {  	[tilespmem:s28], [sflag:$0x1] =	stream.indirect_vreg.gather [hbm4b:s9+s1], $0x80, v3, vm0, $0xb8;
	[tilespmem:$0x10080] =	vst v63  }
0x43: {  	v3 =	vld [tilespmem:$0x20];
	_ =	sdelay $0x4  }
0x44: {  	v62 =	vshll.u32 v3, $0x3  }
0x45: {  	v3 =	vand.u32 $0x7, v3;
	v4 =	vand.u32 $0xFFFFFFC0, v62  }
0x46: {  	v3 =	vor.u32 v3, v4  }
0x47: {  	v4 =	vperm.xlane v3, v0;
	_ =	sdelay $0x1  }
0x48: {  	v4 =	vadd.s32 v1, v4;
	_ =	sdelay $0x4  }
0x49: {  	[tilespmem:s29], [sflag:$0x1] =	stream.indirect_vreg.gather [hbm4b:s3+s1], $0x80, v4, vm0, $0xb8;
	[tilespmem:$0x10080] =	vst v63  }
0x4a: {  	v3 =	vperm.xlane v3, v2  }
0x4b: {  	[tilespmem:s30], [sflag:$0x1] =	stream.indirect_vreg.gather [hbm4b:s6+s1], $0x80, v4, vm0, $0xb8;
	[tilespmem:$0x10080] =	vst v63  }
0x4c: {  	v3 =	vadd.s32 v1, v3  }
0x4d: {  	[tilespmem:s31], [sflag:$0x1] =	stream.indirect_vreg.gather [hbm4b:s8+s1], $0x80, v4, vm0, $0xb8;
	[tilespmem:$0x10080] =	vst v63  }
0x4e: {  	_ = 	snop  }
0x4f: {  	[tilespmem:s0], [sflag:$0x1] =	stream.indirect_vreg.gather [hbm4b:s9+s1], $0x80, v4, vm0, $0xb8;
	[tilespmem:$0x10080] =	vst v63  }
0x50: {  	_ = 	snop  }
0x51: {  	[tilespmem:s2], [sflag:$0x1] =	stream.indirect_vreg.gather [hbm4b:s3+s1], $0x80, v3, vm0, $0xb8;
	[tilespmem:$0x10080] =	vst v63  }
0x52: {  	_ = 	snop  }
0x53: {  	[tilespmem:s10], [sflag:$0x1] =	stream.indirect_vreg.gather [hbm4b:s6+s1], $0x80, v3, vm0, $0xb8;
	[tilespmem:$0x10080] =	vst v63  }
0x54: {  	_ = 	snop  }
0x55: {  	[tilespmem:s13], [sflag:$0x1] =	stream.indirect_vreg.gather [hbm4b:s8+s1], $0x80, v3, vm0, $0xb8;
	[tilespmem:$0x10080] =	vst v63  }
0x56: {  	_ = 	snop  }
0x57: {  	[tilespmem:s14], [sflag:$0x1] =	stream.indirect_vreg.gather [hbm4b:s9+s1], $0x80, v3, vm0, $0xb8;
	[tilespmem:$0x10080] =	vst v63  }
0x58: {  	v3 =	vld [tilespmem:$0x30];
	_ =	sdelay $0x4  }
0x59: {  	v63 =	vshll.u32 v3, $0x3  }
0x5a: {  	v3 =	vand.u32 $0x7, v3;
	v4 =	vand.u32 $0xFFFFFFC0, v63  }
0x5b: {  	v3 =	vor.u32 v3, v4  }
0x5c: {  	v4 =	vperm.xlane v3, v0;
	_ =	sdelay $0x1  }
0x5d: {  	v4 =	vadd.s32 v1, v4;
	_ =	sdelay $0x4  }
0x5e: {  	[tilespmem:s15], [sflag:$0x1] =	stream.indirect_vreg.gather [hbm4b:s3+s1], $0x80, v4, vm0, $0xb8;
	[tilespmem:$0x10080] =	vst v63  }
0x5f: {  	v3 =	vperm.xlane v3, v2  }
0x60: {  	[tilespmem:s16], [sflag:$0x1] =	stream.indirect_vreg.gather [hbm4b:s6+s1], $0x80, v4, vm0, $0xb8;
	[tilespmem:$0x10080] =	vst v63  }
0x61: {  	v3 =	vadd.s32 v1, v3  }
0x62: {  	[tilespmem:s17], [sflag:$0x1] =	stream.indirect_vreg.gather [hbm4b:s8+s1], $0x80, v4, vm0, $0xb8;
	[tilespmem:$0x10080] =	vst v63  }
0x63: {  	_ = 	snop  }
0x64: {  	[tilespmem:s18], [sflag:$0x1] =	stream.indirect_vreg.gather [hbm4b:s9+s1], $0x80, v4, vm0, $0xb8;
	[tilespmem:$0x10080] =	vst v63  }
0x65: {  	_ = 	snop  }
0x66: {  	[tilespmem:s19], [sflag:$0x1] =	stream.indirect_vreg.gather [hbm4b:s3+s1], $0x80, v3, vm0, $0xb8;
	[tilespmem:$0x10080] =	vst v63  }
0x67: {  	_ = 	snop  }
0x68: {  	[tilespmem:s20], [sflag:$0x1] =	stream.indirect_vreg.gather [hbm4b:s6+s1], $0x80, v3, vm0, $0xb8;
	[tilespmem:$0x10080] =	vst v63  }
0x69: {  	_ = 	snop  }
0x6a: {  	[tilespmem:s21], [sflag:$0x1] =	stream.indirect_vreg.gather [hbm4b:s8+s1], $0x80, v3, vm0, $0xb8;
	[tilespmem:$0x10080] =	vst v63  }
0x6b: {  	_ = 	snop  }
0x6c: {  	[tilespmem:s22], [sflag:$0x1] =	stream.indirect_vreg.gather [hbm4b:s9+s1], $0x80, v3, vm0, $0xb8;
	[tilespmem:$0x10080] =	vst v63  }
0x6d: {  	_ =	swait.ge [sflag:s23], $0x10000  }
0x6e: {  	p1 =	por p0, p0;
	s24 =	sshll.u32 s24, $0x7;
	[sflag:s23] =	ssyncset.done $0x0  }
.Ltmp0:
0x6f: {  	s24 =	sadd.s32 s5, s24;
	[sflag:s23] =	ssyncadd.s32 $0xFFFF0000;
	(pc) =	sbr.rel @p1 .LBB2_2-.Ltmp0, $4  }
0x70: {  	[hbm4b:s24+s1] =	stream.linear.scatter [tilespmem:s12], [sflag:$0x2], $0x10000, $0x38;
	[tilespmem:$0x10080] =	vst v63  }
0x71: {  	_ =	swait.ge [sflag:s11], $0x10000  }
0x72: {  	[sflag:s11] =	ssyncset.done $0x0  }
0x73: {  	p0 =	por $0x0, $0x0;
	s24 =	simm.s32 $0x40;
	[sflag:s11] =	ssyncadd.s32 $0xFFFF0000  }
0x74: {  	s25 =	rddreg [dreg:$0x3]  }
0x75: {  	s24 =	rddreg [dreg:$0x2];
	s25 =	sadd.s32 $0x1, s25  }
0x76: {  	p0 =	sne.s32 s25, s24  }
.Ltmp1:
0x77: {  	_ = 	snop;
	(pc) =	sbr.rel @p0 .LBB2_1-.Ltmp1, $1  }
0x78: {  	_ =	sdelay $0x3  }
0x79: {  	_ =	sfence.sel $0x180000  }
0x7a: {  	[bflag:$0x0] =	sbarrier.arrive $0xFFFF  }
0x7b: {  	_ =	strace $0x9000004A  }
0x7c: {  	s0 =	stileid.u32;
	[bflag:$0x2] =	sbarrier.arrive $0xFFFF  }
0x7d: {  	p0 =	sne.s32 s0, $0x0;
	s0 =	rddreg [dreg:$0x1]  }
0x7e: {  	s0 =	sadd.s32 @!p0 $0x100000, s0  }
0x7f: {  	[sflag:s0] =	ssyncadd.tile.s32 @!p0 $0x1;
	_ =	shalt  }
.Lfunc_end2:
_tile_overlayer_lowered:
.L_overlay_start_2:
0x80: {  	(tag) =	ssettag $0x2  }
0x81: {  	s0 =	rddreg [dreg:$0x0];
	s2 =	stileid.u32  }
0x82: {  	s1 =	rddreg [dreg:$0x1];
	p0 =	sne.s32 s2, $0x0  }
0x83: {  	s3 =	rddreg [dreg:$0x2];
	[bflag:$0x3] =	sbarrier.arrive $0xFFFF;
	s2 =	simm.s32 @!p0 $0x1C02  }
0x84: {  	[timem:s3], [sflag:s2] =	dma.local @!p0 [hbm:s0], s1  }
0x85: {  	s0 =	simm.s32 @!p0 $0x2  }
0x86: {  	_ =	swait.ge @!p0 [sflag:s0], s1  }
0x87: {  	s1 =	ssub.s32 @!p0 $0x0, s1;
	[sflag:s0] =	ssyncset.done @!p0 $0x0  }
0x88: {  	[sflag:s0] =	ssyncadd.s32 @!p0 s1  }
0x89: {  	[bflag:$0x3] =	sbarrier.arrive $0xFFFF  }
0x8a: {  	_ =	shalt  }

// kernel: kernel.7.cloned.1.call-start
scs
__scs_entry_jumppad:
0x0: {  	(pc) =	sbr.rel $0x88, $3  }
0x1: {  	(tag) =	ssettag $0x0;
	lr =	simm.s32 $0x1  }
0x2: {  	[smem:$0x3F9C] =	sst lr;
	_ =	strace $0xD0000000  }
0x3: {  	_ = 	snop  }
0x4: {  	_ = 	snop  }
0x5: {  	_ = 	snop  }
0x6: {  	_ = 	snop  }
0x7: {  	_ = 	snop  }
__scs_overlays_trampoline_lowered:
0x8: {  	[smem:$0x3FAB] =	sst s0  }
0x9: {  	[smem:$0x3FAC] =	sst s1  }
0xa: {  	[smem:$0x3FAD] =	sst s2  }
0xb: {  	[smem:$0x3FAE] =	sst s3  }
0xc: {  	[smem:$0x3FAF] =	sst s4  }
0xd: {  	[smem:$0x3FB0] =	sst s5  }
0xe: {  	[smem:$0x3FB1] =	sst s6  }
0xf: {  	[smem:$0x3FB2] =	sst s7  }
0x10: {  	[smem:$0x3FB3] =	sst s8  }
0x11: {  	[smem:$0x3FB4] =	sst s9;
	s0 =	simm.s32 @!p0 $0x0  }
0x12: {  	s1 =	sld [smem:$0x3F9A];
	s0 =	simm.s32 @p0 $0x1  }
0x13: {  	[smem:$0x3FB5] =	sst s0;
	s0 =	simm.s32 @!p1 $0x0  }
0x14: {  	s2 =	sld [smem:$0x3F99];
	s0 =	simm.s32 @p1 $0x1  }
0x15: {  	[smem:$0x3FB6] =	sst s0;
	s0 =	simm.s32 @!p2 $0x0  }
0x16: {  	s3 =	sld [smem:$0x3FDB];
	s0 =	simm.s32 @p2 $0x1  }
0x17: {  	s4 =	simm.s32 $0x1BF5;
	[smem:$0x3FB8] =	sst s0  }
0x18: {  	s0 =	sld [smem:$0x3F9B];
	_ =	swait.ge [sflag:s4], $0x0  }
0x19: {  	s7 =	sld [smem:$0x3F9C]  }
0x1a: {  	s8 =	sadd.s32 $0xFFFFE003, lr  }
0x1b: {  	s9 =	sadd.s32 $0xFFFFFEF7, lr;
	s5 =	simm.s32 $0xFFFFFFFF;
	p2 =	slt.u32 s8, $0xFFFFF086  }
0x1c: {  	p1 =	slt.u32 s9, $0xF7A;
	s5 =	simm.s32 @!p2 $0x0  }
0x1d: {  	s5 =	simm.s32 @p1 $0x1;
	p0 =	seq.s32 s7, s2  }
0x1e: {  	s7 =	smul.u32 @!p0 $0xF7A, s2;
	p2 =	seq.s32 @!p0 s5, $0x0  }
0x1f: {  	s9 =	smul.u32 $0xF7A, s1;
	s8 =	simm.s32 @!p0 $0x1BF5;
	p2 =	por !p2, p0  }
0x20: {  	[sflag:s8] =	ssyncset.s32 @!p0 $0xFFFFF086;
	s6 =	sadd.s32 @!p0 s3, s7;
	s7 =	simm.s32 @!p0 $0x108  }
0x21: {  	s3 =	sadd.s32 s3, s9;
	s6 =	sadd.s32 @!p0 $0x88, s6;
	s7 =	simm.s32 @p2 $0x1082  }
0x22: {  	[simem:s7], [sflag:s8] =	dma.local @!p0 [hbm:s6], $0xF7A  }
0x23: {  	s9 =	sor.u32 $0xD0000000, s2;
	s6 =	simm.s32 $0x108;
	_ =	swait.ge @!p0 [sflag:s8], $0x0  }
0x24: {  	s3 =	sadd.s32 $0x88, s3;
	s6 =	simm.s32 @!p1 $0x1082;
	[sflag:s4] =	ssyncset.s32 $0xFFFFF086  }
0x25: {  	[simem:s6], [sflag:s4] =	dma.local [hbm:s3], $0xF7A  }
0x26: {  	[smem:$0x3F9C] =	sst s1;
	(tag) =	ssettag s2;
	_ =	strace s9  }
0x27: {  	s1 =	sld [smem:$0x3FAC]  }
0x28: {  	s2 =	sld [smem:$0x3FAD]  }
0x29: {  	s4 =	sld [smem:$0x3FAF]  }
0x2a: {  	p0 =	seq.s32 s5, $0x0;
	s5 =	sld [smem:$0x3FB0]  }
0x2b: {  	s6 =	sld [smem:$0x3FB1]  }
0x2c: {  	s7 =	sld [smem:$0x3FB2]  }
0x2d: {  	s3 =	simm.s32 $0x108;
	s8 =	sld [smem:$0x3FB3]  }
0x2e: {  	s3 =	simm.s32 @!p0 $0x1082;
	s9 =	sld [smem:$0x3FB4]  }
0x2f: {  	lr =	sadd.s32 s0, s3;
	s0 =	sld [smem:$0x3FAB]  }
0x30: {  	s3 =	sld [smem:$0x3FAE]  }
0x31: {  	[smem:$0x3FB7] =	sst s10  }
0x32: {  	s10 =	sld [smem:$0x3FB5];
	_ =	sdelay $0x3  }
0x33: {  	p0 =	seq.s32 s10, $0x1;
	s10 =	sld [smem:$0x3FB7];
	_ =	sdelay $0x3  }
0x34: {  	[smem:$0x3FB7] =	sst s10  }
0x35: {  	s10 =	sld [smem:$0x3FB6];
	_ =	sdelay $0x3  }
0x36: {  	p1 =	seq.s32 s10, $0x1;
	s10 =	sld [smem:$0x3FB7];
	_ =	sdelay $0x3  }
0x37: {  	[smem:$0x3FB7] =	sst s10  }
0x38: {  	s10 =	sld [smem:$0x3FB8]  }
0x39: {  	_ = 	snop;
	(pc) =	sbr.ind lr, $3  }
0x3a: {  	_ = 	snop  }
0x3b: {  	_ = 	snop  }
0x3c: {  	p2 =	seq.s32 s10, $0x1;
	s10 =	sld [smem:$0x3FB7]  }
0x3d: {  	_ =	shalt  }
0x3e: {  	_ =	shalt  }
0x3f: {  	_ =	shalt  }
0x40: {  	_ =	shalt  }
0x41: {  	_ =	shalt  }
0x42: {  	_ =	shalt  }
0x43: {  	_ =	shalt  }
0x44: {  	_ =	shalt  }
0x45: {  	_ =	shalt  }
0x46: {  	_ =	shalt  }
0x47: {  	_ =	shalt  }
0x48: {  	_ =	shalt  }
0x49: {  	_ =	shalt  }
0x4a: {  	_ =	shalt  }
0x4b: {  	_ =	shalt  }
0x4c: {  	_ =	shalt  }
0x4d: {  	_ =	shalt  }
0x4e: {  	_ =	shalt  }
0x4f: {  	_ =	shalt  }
0x50: {  	_ =	shalt  }
0x51: {  	_ =	shalt  }
0x52: {  	_ =	shalt  }
0x53: {  	_ =	shalt  }
0x54: {  	_ =	shalt  }
0x55: {  	_ =	shalt  }
0x56: {  	_ =	shalt  }
0x57: {  	_ =	shalt  }
0x58: {  	_ =	shalt  }
0x59: {  	_ =	shalt  }
0x5a: {  	_ =	shalt  }
0x5b: {  	_ =	shalt  }
0x5c: {  	_ =	shalt  }
0x5d: {  	_ =	shalt  }
0x5e: {  	_ =	shalt  }
0x5f: {  	_ =	shalt  }
0x60: {  	_ =	shalt  }
0x61: {  	_ =	shalt  }
0x62: {  	_ =	shalt  }
0x63: {  	_ =	shalt  }
0x64: {  	_ =	shalt  }
0x65: {  	_ =	shalt  }
0x66: {  	_ =	shalt  }
0x67: {  	_ =	shalt  }
0x68: {  	_ =	shalt  }
0x69: {  	_ =	shalt  }
0x6a: {  	_ =	shalt  }
0x6b: {  	_ =	shalt  }
0x6c: {  	_ =	shalt  }
0x6d: {  	_ =	shalt  }
0x6e: {  	_ =	shalt  }
0x6f: {  	_ =	shalt  }
0x70: {  	_ =	shalt  }
0x71: {  	_ =	shalt  }
0x72: {  	_ =	shalt  }
0x73: {  	_ =	shalt  }
0x74: {  	_ =	shalt  }
0x75: {  	_ =	shalt  }
0x76: {  	_ =	shalt  }
0x77: {  	_ =	shalt  }
0x78: {  	_ =	shalt  }
0x79: {  	_ =	shalt  }
0x7a: {  	_ =	shalt  }
0x7b: {  	_ =	shalt  }
0x7c: {  	_ =	shalt  }
0x7d: {  	_ =	shalt  }
0x7e: {  	_ =	shalt  }
0x7f: {  	_ =	shalt  }
0x80: {  	_ =	shalt  }
0x81: {  	_ =	shalt  }
0x82: {  	_ =	shalt  }
0x83: {  	_ =	shalt  }
0x84: {  	_ =	shalt  }
0x85: {  	_ =	shalt  }
0x86: {  	_ =	shalt  }
0x87: {  	_ =	shalt  }
.Lfunc_end0:
.L_simem_size_0:
called_computation_lowered:
.L_overlay_start_0:
0x88: {  	s2 =	sld [smem:$0x3FD9]  }
0x89: {  	s3 =	sld [smem:$0x3FFE];
	_ =	sdelay $0x1  }
0x8a: {  	s1 =	srdreg.scid  }
0x8b: {  	s0 =	sand.u32 $0x1, s1  }
0x8c: {  	s17 =	sshll.u32 s0, $0xA;
	s2 =	sadd.s32 s3, s2  }
0x8d: {  	s2 =	sadd.s32 s2, s17  }
0x8e: {  	[smem:$0x3FC3] =	sst s2  }
0x8f: {  	_ = 	snop  }
0x90: {  	s2 =	sld [smem:$0x3FC9];
	(tm) =	ssettm $0x1  }
0x91: {  	s18 =	sld [smem:$0x3FFB];
	_ =	sdelay $0x3  }
0x92: {  	_ =	strace s18  }
0x93: {  	s3 =	sld [smem:$0x3FFC];
	_ =	sdelay $0x3  }
0x94: {  	_ =	strace s3  }
0x95: {  	s3 =	sld [smem:$0x3FFD];
	_ =	sdelay $0x3  }
0x96: {  	_ =	strace s3  }
0x97: {  	_ =	strace $0x8FFFFFFF  }
0x98: {  	s19 =	sld [smem:$0x3FDB];
	_ =	sdelay $0x1  }
0x99: {  	s4 =	simm.s32 $_scs_section_size  }
0x9a: {  	s5 =	simm.s32 $_size__tile_overlayer_lowered;
	s6 =	simm.s32 $_tile_overlayer_lowered  }
0x9b: {  	s22 =	simm.s32 $0x1BFF;
	s21 =	sshll.u32 s6, $0x1;
	s3 =	sadd.s32 s4, s19  }
0x9c: {  	s7 =	simm.s32 $0x0;
	s20 =	sshll.u32 s5, $0x1;
	s5 =	sadd.s32 s21, s3  }
0x9d: {  	[timem:s7], [sflag:s22] =	dma.local [hbm:s5], s20  }
0x9e: {  	_ =	swait.ge [sflag:s22], s20  }
0x9f: {  	s4 =	ssub.s32 $0x0, s20;
	[sflag:s22] =	ssyncset.done $0x0  }
0xa0: {  	[sflag:s22] =	ssyncadd.s32 s4;
	_ =	sdelay $0x1  }
0xa1: {  	s23 =	simm.s32 $0x1B8B  }
0xa2: {  	_ =	swait.ge [sflag:s23], $0x1  }
0xa3: {  	[sflag:s23] =	ssyncset.done $0x0  }
0xa4: {  	s25 =	simm.s32 $0x1B8E;
	s24 =	sld [smem:$0x3FFE];
	[sflag:s23] =	ssyncadd.s32 $0xFFFFFFFF  }
0xa5: {  	s26 =	simm.s32 $execute0_lowered;
	[smem:$0x3FD2] =	sst s25  }
0xa6: {  	s5 =	sshll.u32 s26, $0x1;
	_ =	strace $0x80000046;
	[dreg:$0x1] =	wrdreg $0xFFFFFFFF  }
0xa7: {  	s28 =	simm.s32 $_size_execute0_lowered;
	s3 =	sadd.s32 s3, s5;
	[dreg:$0x0] =	wrdreg $0x0  }
0xa8: {  	s5 =	sshll.u32 s28, $0x1;
	[dreg:$0x2] =	wrdreg s3  }
0xa9: {  	[dreg:$0x3] =	wrdreg s5  }
0xaa: {  	[dreg:$0x4] =	wrdreg $0xC0  }
0xab: {  	_ =	task [dreg:s7], $0x5FFFF  }
0xac: {  	[dreg:$0x1] =	wrdreg $0xFFFFFFFF  }
0xad: {  	[dreg:$0x0] =	wrdreg $0x60  }
0xae: {  	[dreg:$0x2] =	wrdreg s2  }
0xaf: {  	[dreg:$0x3] =	wrdreg s24  }
0xb0: {  	[dreg:$0x4] =	wrdreg $0x9  }
0xb1: {  	_ =	task.clear_ibuf [dreg:s7], $0x5FFFF;
	_ =	strace $0x90000046  }
0xb2: {  	s29 =	simm.s32 $0x9;
	_ =	strace $0x80000048  }
0xb3: {  	_ =	swait.ge [sflag:s29], $0x1  }
0xb4: {  	[sflag:s29] =	ssyncadd.s32 $0xFFFFFFFF  }
0xb5: {  	_ =	strace $0x90000048  }
0xb6: {  	_ =	sfence  }
0xb7: {  	s30 =	sld [smem:$0x0];
	_ =	sdelay $0x2  }
0xb8: {  	s31 =	sshll.u32 s1, $0xD;
	s1 =	sshrl.u32 s1, $0x2  }
0xb9: {  	s3 =	sand.u32 $0x4000, s31;
	s1 =	sadd.s32 s1, s30  }
0xba: {  	s0 =	sor.u32 s3, s0;
	s1 =	sshll.u32 s1, $0x11  }
0xbb: {  	s0 =	sor.u32 s1, s0  }
0xbc: {  	s0 =	sadd.s32 $0x8F2B, s0  }
0xbd: {  	[sflag:s0] =	ssyncadd.remote.s32 $0x1  }
0xbe: {  	_ =	sfence.sel $0xFFFF  }
0xbf: {  	[dreg:$0x0] =	wrdreg $0xFFFFFFFF;
	(pc) =	sbr.abs _section_cstart, $3  }
0xc0: {  	[dreg:$0x1] =	wrdreg $0xFFFFFFFF  }
0xc1: {  	_ =	task.clear_ibuf [dreg:s7], $0x2FFFF;
	_ =	strace $0x9FFFFFFF  }
0xc2: {  	(tm) =	ssettm $0x7FFFFFFF  }
0xc3: {  	_ =	shalt  }
tec
execute0_lowered:
.L_overlay_start_1:
0x0: {  	(tag) =	ssettag $0x1  }
0x1: {  	s1 =	rddreg [dreg:$0x0]  }
0x2: {  	s0 =	rddreg [dreg:$0x1];
	s2 =	simm.s32 $0x0  }
0x3: {  	s3 =	srdreg.scid;
	s7 =	stileid.u32;
	s16 =	simm.s32 $0x1100  }
0x4: {  	s17 =	simm.s32 $0x3100;
	s18 =	simm.s32 $0x3900;
	s19 =	simm.s32 $0x4100  }
0x5: {  	s20 =	simm.s32 $0x4900;
	s21 =	simm.s32 $0x5100;
	s22 =	simm.s32 $0x5900  }
0x6: {  	s23 =	simm.s32 $0x6900;
	s24 =	simm.s32 $0x7900;
	s25 =	simm.s32 $0x8100  }
0x7: {  	s26 =	simm.s32 $0x8900;
	s28 =	simm.s32 $0x9100;
	s15 =	simm.s32 $0x9900  }
0x8: {  	s29 =	simm.s32 $0xA100;
	[smem:$0x7FF] =	sst s2;
	s14 =	sadd.s32 $0xC00, s0  }
0x9: {  	s4 =	sadd.s32 $0x8E00, s0;
	s3 =	sand.u32 $0x1, s3;
	s6 =	sadd.s32 $0x9000, s0  }
0xa: {  	s7 =	sshll.u32 s7, $0x5;
	s8 =	sadd.s32 $0x100, s1;
	s9 =	sadd.s32 $0x200, s1  }
0xb: {  	s10 =	sadd.s32 $0x300, s1;
	s11 =	sadd.s32 $0x9100, s0;
	s12 =	sadd.s32 $0x9200, s0  }
0xc: {  	s13 =	sadd.s32 $0x9300, s0;
	_ =	strace $0x80000047;
	s30 =	ssub.s32 $0x2, s3  }
0xd: {  	[dreg:$0x3] =	wrdreg s4;
	s3 =	sshll.u32 s3, $0x4;
	s5 =	sshrl.u32 s30, $0x1  }
0xe: {  	v2 =	vlaneseq.u32;
	s3 =	sor.u32 s3, s7;
	s7 =	simm.s32 $0x2900;
	s4 =	ssub.s32 s30, s5  }
0xf: {  	vm0 =	vmmov $0xffff;
	v1 =	vshrl.u32 v2, $0x3;
	[dreg:$0x4] =	wrdreg s3;
	s3 =	simm.s32 $0x0;
	s31 =	smax.u32 s4, $0x1  }
0x10: {  	v0 =	vand.u32 $0x7, v2;
	v2 =	vor.u32 $0x8, v2;
	v1 =	vmul.u32 $0x8, v1;
	s5 =	simm.s32 $0x2100;
	s4 =	simm.s32 $0x2;
	[dreg:$0x5] =	wrdreg s31  }
.LBB2_1:
0x11: {  	[dreg:$0x6] =	wrdreg s3;
	p0 =	por $0x1, $0x1;
	s30 =	simm.s32 $0x0  }
.LBB2_2:
0x12: {  	s0 =	rddreg [dreg:$0x4]  }
0x13: {  	s30 =	sor.u32 s0, s30  }
0x14: {  	s31 =	sadd.s32 s14, s30  }
0x15: {  	[tilespmem:s2], [sflag:$0x2] =	stream.linear.gather [hbm4b:s31+s2], $0x40, $0x38;
	[tilespmem:$0x10100] =	vst v63  }
0x16: {  	_ =	swait.ge [sflag:s4], $0x40  }
0x17: {  	[sflag:s4] =	ssyncset.done $0x0;
	s31 =	rddreg [dreg:$0x3]  }
0x18: {  	s3 =	simm.s32 $0x80;
	[sflag:s4] =	ssyncadd.s32 $0xFFFFFFC0;
	s30 =	sadd.s32 s31, s30  }
0x19: {  	[tilespmem:s3], [sflag:$0x2] =	stream.linear.gather [hbm4b:s30+s2], $0x40, $0x38;
	[tilespmem:$0x10100] =	vst v63  }
0x1a: {  	_ =	swait.ge [sflag:s4], $0x40  }
0x1b: {  	[sflag:s4] =	ssyncset.done $0x0  }
0x1c: {  	[sflag:s4] =	ssyncadd.s32 $0xFFFFFFC0  }
0x1d: {  	v3 =	vld [tilespmem:$0x0];
	_ =	sdelay $0x4  }
0x1e: {  	v4 =	vshll.u32 v3, $0x3  }
0x1f: {  	v3 =	vand.u32 $0x7, v3;
	v4 =	vand.u32 $0xFFFFFFC0, v4  }
0x20: {  	v3 =	vor.u32 v3, v4  }
0x21: {  	v4 =	vperm.xlane v3, v0;
	_ =	sdelay $0x1  }
0x22: {  	v4 =	vadd.s32 v1, v4;
	_ =	sdelay $0x3  }
0x23: {  	s0 =	simm.s32 $0x100  }
0x24: {  	[tilespmem:s0], [sflag:$0x1] =	stream.indirect_vreg.gather [hbm4b:s1+s2], $0x80, v4, vm0, $0xb8;
	[tilespmem:$0x10100] =	vst v63  }
0x25: {  	s30 =	simm.s32 $0x900;
	v3 =	vperm.xlane v3, v2  }
0x26: {  	[tilespmem:s30], [sflag:$0x1] =	stream.indirect_vreg.gather [hbm4b:s8+s2], $0x80, v4, vm0, $0xb8;
	[tilespmem:$0x10100] =	vst v63  }
0x27: {  	v3 =	vadd.s32 v1, v3  }
0x28: {  	[tilespmem:s16], [sflag:$0x1] =	stream.indirect_vreg.gather [hbm4b:s9+s2], $0x80, v4, vm0, $0xb8;
	[tilespmem:$0x10100] =	vst v63  }
0x29: {  	s4 =	simm.s32 $0x1900  }
0x2a: {  	[tilespmem:s4], [sflag:$0x1] =	stream.indirect_vreg.gather [hbm4b:s10+s2], $0x80, v4, vm0, $0xb8;
	[tilespmem:$0x10100] =	vst v63  }
0x2b: {  	_ = 	snop  }
0x2c: {  	[tilespmem:s5], [sflag:$0x1] =	stream.indirect_vreg.gather [hbm4b:s1+s2], $0x80, v3, vm0, $0xb8;
	[tilespmem:$0x10100] =	vst v63  }
0x2d: {  	_ = 	snop  }
0x2e: {  	[tilespmem:s7], [sflag:$0x1] =	stream.indirect_vreg.gather [hbm4b:s8+s2], $0x80, v3, vm0, $0xb8;
	[tilespmem:$0x10100] =	vst v63  }
0x2f: {  	_ = 	snop  }
0x30: {  	[tilespmem:s17], [sflag:$0x1] =	stream.indirect_vreg.gather [hbm4b:s9+s2], $0x80, v3, vm0, $0xb8;
	[tilespmem:$0x10100] =	vst v63  }
0x31: {  	_ = 	snop  }
0x32: {  	[tilespmem:s18], [sflag:$0x1] =	stream.indirect_vreg.gather [hbm4b:s10+s2], $0x80, v3, vm0, $0xb8;
	[tilespmem:$0x10100] =	vst v63  }
0x33: {  	v3 =	vld [tilespmem:$0x10];
	_ =	sdelay $0x4  }
0x34: {  	v57 =	vshll.u32 v3, $0x3  }
0x35: {  	v3 =	vand.u32 $0x7, v3;
	v4 =	vand.u32 $0xFFFFFFC0, v57  }
0x36: {  	v3 =	vor.u32 v3, v4  }
0x37: {  	v4 =	vperm.xlane v3, v0;
	_ =	sdelay $0x1  }
0x38: {  	v4 =	vadd.s32 v1, v4;
	_ =	sdelay $0x4  }
0x39: {  	[tilespmem:s19], [sflag:$0x1] =	stream.indirect_vreg.gather [hbm4b:s1+s2], $0x80, v4, vm0, $0xb8;
	[tilespmem:$0x10100] =	vst v63  }
0x3a: {  	v3 =	vperm.xlane v3, v2  }
0x3b: {  	[tilespmem:s20], [sflag:$0x1] =	stream.indirect_vreg.gather [hbm4b:s8+s2], $0x80, v4, vm0, $0xb8;
	[tilespmem:$0x10100] =	vst v63  }
0x3c: {  	v3 =	vadd.s32 v1, v3  }
0x3d: {  	[tilespmem:s21], [sflag:$0x1] =	stream.indirect_vreg.gather [hbm4b:s9+s2], $0x80, v4, vm0, $0xb8;
	[tilespmem:$0x10100] =	vst v63  }
0x3e: {  	_ = 	snop  }
0x3f: {  	[tilespmem:s22], [sflag:$0x1] =	stream.indirect_vreg.gather [hbm4b:s10+s2], $0x80, v4, vm0, $0xb8;
	[tilespmem:$0x10100] =	vst v63  }
0x40: {  	s3 =	simm.s32 $0x6100  }
0x41: {  	[tilespmem:s3], [sflag:$0x1] =	stream.indirect_vreg.gather [hbm4b:s1+s2], $0x80, v3, vm0, $0xb8;
	[tilespmem:$0x10100] =	vst v63  }
0x42: {  	_ = 	snop  }
0x43: {  	[tilespmem:s23], [sflag:$0x1] =	stream.indirect_vreg.gather [hbm4b:s8+s2], $0x80, v3, vm0, $0xb8;
	[tilespmem:$0x10100] =	vst v63  }
0x44: {  	s3 =	simm.s32 $0x7100  }
0x45: {  	[tilespmem:s3], [sflag:$0x1] =	stream.indirect_vreg.gather [hbm4b:s9+s2], $0x80, v3, vm0, $0xb8;
	[tilespmem:$0x10100] =	vst v63  }
0x46: {  	_ = 	snop  }
0x47: {  	[tilespmem:s24], [sflag:$0x1] =	stream.indirect_vreg.gather [hbm4b:s10+s2], $0x80, v3, vm0, $0xb8;
	[tilespmem:$0x10100] =	vst v63  }
0x48: {  	v3 =	vld [tilespmem:$0x20];
	_ =	sdelay $0x4  }
0x49: {  	v58 =	vshll.u32 v3, $0x3  }
0x4a: {  	v3 =	vand.u32 $0x7, v3;
	v4 =	vand.u32 $0xFFFFFFC0, v58  }
0x4b: {  	v3 =	vor.u32 v3, v4  }
0x4c: {  	v4 =	vperm.xlane v3, v0;
	_ =	sdelay $0x1  }
0x4d: {  	v4 =	vadd.s32 v1, v4;
	_ =	sdelay $0x4  }
0x4e: {  	[tilespmem:s25], [sflag:$0x1] =	stream.indirect_vreg.gather [hbm4b:s1+s2], $0x80, v4, vm0, $0xb8;
	[tilespmem:$0x10100] =	vst v63  }
0x4f: {  	v3 =	vperm.xlane v3, v2  }
0x50: {  	[tilespmem:s26], [sflag:$0x1] =	stream.indirect_vreg.gather [hbm4b:s8+s2], $0x80, v4, vm0, $0xb8;
	[tilespmem:$0x10100] =	vst v63  }
0x51: {  	v3 =	vadd.s32 v1, v3  }
0x52: {  	[tilespmem:s28], [sflag:$0x1] =	stream.indirect_vreg.gather [hbm4b:s9+s2], $0x80, v4, vm0, $0xb8;
	[tilespmem:$0x10100] =	vst v63  }
0x53: {  	_ = 	snop  }
0x54: {  	[tilespmem:s15], [sflag:$0x1] =	stream.indirect_vreg.gather [hbm4b:s10+s2], $0x80, v4, vm0, $0xb8;
	[tilespmem:$0x10100] =	vst v63  }
0x55: {  	_ = 	snop  }
0x56: {  	[tilespmem:s29], [sflag:$0x1] =	stream.indirect_vreg.gather [hbm4b:s1+s2], $0x80, v3, vm0, $0xb8;
	[tilespmem:$0x10100] =	vst v63  }
0x57: {  	s3 =	simm.s32 $0xA900  }
0x58: {  	[tilespmem:s3], [sflag:$0x1] =	stream.indirect_vreg.gather [hbm4b:s8+s2], $0x80, v3, vm0, $0xb8;
	[tilespmem:$0x10100] =	vst v63  }
0x59: {  	s3 =	simm.s32 $0xB100  }
0x5a: {  	[tilespmem:s3], [sflag:$0x1] =	stream.indirect_vreg.gather [hbm4b:s9+s2], $0x80, v3, vm0, $0xb8;
	[tilespmem:$0x10100] =	vst v63  }
0x5b: {  	s3 =	simm.s32 $0xB900  }
0x5c: {  	[tilespmem:s3], [sflag:$0x1] =	stream.indirect_vreg.gather [hbm4b:s10+s2], $0x80, v3, vm0, $0xb8;
	[tilespmem:$0x10100] =	vst v63  }
0x5d: {  	v3 =	vld [tilespmem:$0x30];
	_ =	sdelay $0x4  }
0x5e: {  	v59 =	vshll.u32 v3, $0x3  }
0x5f: {  	v3 =	vand.u32 $0x7, v3;
	v4 =	vand.u32 $0xFFFFFFC0, v59  }
0x60: {  	v3 =	vor.u32 v3, v4  }
0x61: {  	v4 =	vperm.xlane v3, v0;
	_ =	sdelay $0x1  }
0x62: {  	v4 =	vadd.s32 v1, v4;
	_ =	sdelay $0x3  }
0x63: {  	s3 =	simm.s32 $0xC100  }
0x64: {  	[tilespmem:s3], [sflag:$0x1] =	stream.indirect_vreg.gather [hbm4b:s1+s2], $0x80, v4, vm0, $0xb8;
	[tilespmem:$0x10100] =	vst v63  }
0x65: {  	v3 =	vperm.xlane v3, v2;
	s3 =	simm.s32 $0xC900  }
0x66: {  	[tilespmem:s3], [sflag:$0x1] =	stream.indirect_vreg.gather [hbm4b:s8+s2], $0x80, v4, vm0, $0xb8;
	[tilespmem:$0x10100] =	vst v63  }
0x67: {  	v3 =	vadd.s32 v1, v3;
	s3 =	simm.s32 $0xD100  }
0x68: {  	[tilespmem:s3], [sflag:$0x1] =	stream.indirect_vreg.gather [hbm4b:s9+s2], $0x80, v4, vm0, $0xb8;
	[tilespmem:$0x10100] =	vst v63  }
0x69: {  	s3 =	simm.s32 $0xD900  }
0x6a: {  	[tilespmem:s3], [sflag:$0x1] =	stream.indirect_vreg.gather [hbm4b:s10+s2], $0x80, v4, vm0, $0xb8;
	[tilespmem:$0x10100] =	vst v63  }
0x6b: {  	s3 =	simm.s32 $0xE100  }
0x6c: {  	[tilespmem:s3], [sflag:$0x1] =	stream.indirect_vreg.gather [hbm4b:s1+s2], $0x80, v3, vm0, $0xb8;
	[tilespmem:$0x10100] =	vst v63  }
0x6d: {  	s3 =	simm.s32 $0xE900  }
0x6e: {  	[tilespmem:s3], [sflag:$0x1] =	stream.indirect_vreg.gather [hbm4b:s8+s2], $0x80, v3, vm0, $0xb8;
	[tilespmem:$0x10100] =	vst v63  }
0x6f: {  	s3 =	simm.s32 $0xF100  }
0x70: {  	[tilespmem:s3], [sflag:$0x1] =	stream.indirect_vreg.gather [hbm4b:s9+s2], $0x80, v3, vm0, $0xb8;
	[tilespmem:$0x10100] =	vst v63  }
0x71: {  	s31 =	simm.s32 $0x1;
	s3 =	simm.s32 $0xF900  }
0x72: {  	[tilespmem:s3], [sflag:$0x1] =	stream.indirect_vreg.gather [hbm4b:s10+s2], $0x80, v3, vm0, $0xb8;
	[tilespmem:$0x10100] =	vst v63  }
0x73: {  	_ =	swait.ge [sflag:s31], $0x10000  }
0x74: {  	[sflag:s31] =	ssyncset.done $0x0  }
0x75: {  	[sflag:s31] =	ssyncadd.s32 $0xFFFF0000  }
0x76: {  	v3 =	vld [tilespmem:$0x80];
	_ =	sdelay $0x4  }
0x77: {  	v60 =	vshll.u32 v3, $0x3  }
0x78: {  	v3 =	vand.u32 $0x7, v3;
	v4 =	vand.u32 $0xFFFFFFC0, v60  }
0x79: {  	v3 =	vor.u32 v3, v4  }
0x7a: {  	v4 =	vperm.xlane v3, v0;
	_ =	sdelay $0x1  }
0x7b: {  	v4 =	vadd.s32 v1, v4;
	_ =	sdelay $0x4  }
0x7c: {  	[hbm4b:s6+s2] =	stream.indirect_vreg.scatter [tilespmem:s0], [sflag:$0x1], $0x80, v4, vm0, $0xb8;
	[tilespmem:$0x10100] =	vst v63  }
0x7d: {  	v3 =	vperm.xlane v3, v2  }
0x7e: {  	[hbm4b:s11+s2] =	stream.indirect_vreg.scatter [tilespmem:s30], [sflag:$0x1], $0x80, v4, vm0, $0xb8;
	[tilespmem:$0x10100] =	vst v63  }
0x7f: {  	v3 =	vadd.s32 v1, v3  }
0x80: {  	[hbm4b:s12+s2] =	stream.indirect_vreg.scatter [tilespmem:s16], [sflag:$0x1], $0x80, v4, vm0, $0xb8;
	[tilespmem:$0x10100] =	vst v63  }
0x81: {  	_ = 	snop  }
0x82: {  	[hbm4b:s13+s2] =	stream.indirect_vreg.scatter [tilespmem:s4], [sflag:$0x1], $0x80, v4, vm0, $0xb8;
	[tilespmem:$0x10100] =	vst v63  }
0x83: {  	_ = 	snop  }
0x84: {  	[hbm4b:s6+s2] =	stream.indirect_vreg.scatter [tilespmem:s5], [sflag:$0x1], $0x80, v3, vm0, $0xb8;
	[tilespmem:$0x10100] =	vst v63  }
0x85: {  	_ = 	snop  }
0x86: {  	[hbm4b:s11+s2] =	stream.indirect_vreg.scatter [tilespmem:s7], [sflag:$0x1], $0x80, v3, vm0, $0xb8;
	[tilespmem:$0x10100] =	vst v63  }
0x87: {  	_ = 	snop  }
0x88: {  	[hbm4b:s12+s2] =	stream.indirect_vreg.scatter [tilespmem:s17], [sflag:$0x1], $0x80, v3, vm0, $0xb8;
	[tilespmem:$0x10100] =	vst v63  }
0x89: {  	_ = 	snop  }
0x8a: {  	[hbm4b:s13+s2] =	stream.indirect_vreg.scatter [tilespmem:s18], [sflag:$0x1], $0x80, v3, vm0, $0xb8;
	[tilespmem:$0x10100] =	vst v63  }
0x8b: {  	v3 =	vld [tilespmem:$0x90];
	_ =	sdelay $0x4  }
0x8c: {  	v61 =	vshll.u32 v3, $0x3  }
0x8d: {  	v3 =	vand.u32 $0x7, v3;
	v4 =	vand.u32 $0xFFFFFFC0, v61  }
0x8e: {  	v3 =	vor.u32 v3, v4  }
0x8f: {  	v4 =	vperm.xlane v3, v0;
	_ =	sdelay $0x1  }
0x90: {  	v4 =	vadd.s32 v1, v4;
	_ =	sdelay $0x4  }
0x91: {  	[hbm4b:s6+s2] =	stream.indirect_vreg.scatter [tilespmem:s19], [sflag:$0x1], $0x80, v4, vm0, $0xb8;
	[tilespmem:$0x10100] =	vst v63  }
0x92: {  	v3 =	vperm.xlane v3, v2  }
0x93: {  	[hbm4b:s11+s2] =	stream.indirect_vreg.scatter [tilespmem:s20], [sflag:$0x1], $0x80, v4, vm0, $0xb8;
	[tilespmem:$0x10100] =	vst v63  }
0x94: {  	v3 =	vadd.s32 v1, v3  }
0x95: {  	[hbm4b:s12+s2] =	stream.indirect_vreg.scatter [tilespmem:s21], [sflag:$0x1], $0x80, v4, vm0, $0xb8;
	[tilespmem:$0x10100] =	vst v63  }
0x96: {  	_ = 	snop  }
0x97: {  	[hbm4b:s13+s2] =	stream.indirect_vreg.scatter [tilespmem:s22], [sflag:$0x1], $0x80, v4, vm0, $0xb8;
	[tilespmem:$0x10100] =	vst v63  }
0x98: {  	s31 =	simm.s32 $0x6100  }
0x99: {  	[hbm4b:s6+s2] =	stream.indirect_vreg.scatter [tilespmem:s31], [sflag:$0x1], $0x80, v3, vm0, $0xb8;
	[tilespmem:$0x10100] =	vst v63  }
0x9a: {  	_ = 	snop  }
0x9b: {  	[hbm4b:s11+s2] =	stream.indirect_vreg.scatter [tilespmem:s23], [sflag:$0x1], $0x80, v3, vm0, $0xb8;
	[tilespmem:$0x10100] =	vst v63  }
0x9c: {  	s31 =	simm.s32 $0x7100  }
0x9d: {  	[hbm4b:s12+s2] =	stream.indirect_vreg.scatter [tilespmem:s31], [sflag:$0x1], $0x80, v3, vm0, $0xb8;
	[tilespmem:$0x10100] =	vst v63  }
0x9e: {  	_ = 	snop  }
0x9f: {  	[hbm4b:s13+s2] =	stream.indirect_vreg.scatter [tilespmem:s24], [sflag:$0x1], $0x80, v3, vm0, $0xb8;
	[tilespmem:$0x10100] =	vst v63  }
0xa0: {  	v3 =	vld [tilespmem:$0xA0];
	_ =	sdelay $0x4  }
0xa1: {  	v62 =	vshll.u32 v3, $0x3  }
0xa2: {  	v3 =	vand.u32 $0x7, v3;
	v4 =	vand.u32 $0xFFFFFFC0, v62  }
0xa3: {  	v3 =	vor.u32 v3, v4  }
0xa4: {  	v4 =	vperm.xlane v3, v0;
	_ =	sdelay $0x1  }
0xa5: {  	v4 =	vadd.s32 v1, v4;
	_ =	sdelay $0x4  }
0xa6: {  	[hbm4b:s6+s2] =	stream.indirect_vreg.scatter [tilespmem:s25], [sflag:$0x1], $0x80, v4, vm0, $0xb8;
	[tilespmem:$0x10100] =	vst v63  }
0xa7: {  	v3 =	vperm.xlane v3, v2  }
0xa8: {  	[hbm4b:s11+s2] =	stream.indirect_vreg.scatter [tilespmem:s26], [sflag:$0x1], $0x80, v4, vm0, $0xb8;
	[tilespmem:$0x10100] =	vst v63  }
0xa9: {  	v3 =	vadd.s32 v1, v3  }
0xaa: {  	[hbm4b:s12+s2] =	stream.indirect_vreg.scatter [tilespmem:s28], [sflag:$0x1], $0x80, v4, vm0, $0xb8;
	[tilespmem:$0x10100] =	vst v63  }
0xab: {  	_ = 	snop  }
0xac: {  	[hbm4b:s13+s2] =	stream.indirect_vreg.scatter [tilespmem:s15], [sflag:$0x1], $0x80, v4, vm0, $0xb8;
	[tilespmem:$0x10100] =	vst v63  }
0xad: {  	_ = 	snop  }
0xae: {  	[hbm4b:s6+s2] =	stream.indirect_vreg.scatter [tilespmem:s29], [sflag:$0x1], $0x80, v3, vm0, $0xb8;
	[tilespmem:$0x10100] =	vst v63  }
0xaf: {  	s31 =	simm.s32 $0xA900  }
0xb0: {  	[hbm4b:s11+s2] =	stream.indirect_vreg.scatter [tilespmem:s31], [sflag:$0x1], $0x80, v3, vm0, $0xb8;
	[tilespmem:$0x10100] =	vst v63  }
0xb1: {  	s31 =	simm.s32 $0xB100  }
0xb2: {  	[hbm4b:s12+s2] =	stream.indirect_vreg.scatter [tilespmem:s31], [sflag:$0x1], $0x80, v3, vm0, $0xb8;
	[tilespmem:$0x10100] =	vst v63  }
0xb3: {  	s31 =	simm.s32 $0xB900  }
0xb4: {  	[hbm4b:s13+s2] =	stream.indirect_vreg.scatter [tilespmem:s31], [sflag:$0x1], $0x80, v3, vm0, $0xb8;
	[tilespmem:$0x10100] =	vst v63  }
0xb5: {  	v3 =	vld [tilespmem:$0xB0];
	_ =	sdelay $0x4  }
0xb6: {  	v63 =	vshll.u32 v3, $0x3  }
0xb7: {  	v3 =	vand.u32 $0x7, v3;
	v4 =	vand.u32 $0xFFFFFFC0, v63  }
0xb8: {  	v3 =	vor.u32 v3, v4  }
0xb9: {  	v4 =	vperm.xlane v3, v0;
	_ =	sdelay $0x1  }
0xba: {  	v4 =	vadd.s32 v1, v4;
	_ =	sdelay $0x3  }
0xbb: {  	s31 =	simm.s32 $0xC100  }
0xbc: {  	[hbm4b:s6+s2] =	stream.indirect_vreg.scatter [tilespmem:s31], [sflag:$0x1], $0x80, v4, vm0, $0xb8;
	[tilespmem:$0x10100] =	vst v63  }
0xbd: {  	v3 =	vperm.xlane v3, v2;
	s31 =	simm.s32 $0xC900  }
0xbe: {  	[hbm4b:s11+s2] =	stream.indirect_vreg.scatter [tilespmem:s31], [sflag:$0x1], $0x80, v4, vm0, $0xb8;
	[tilespmem:$0x10100] =	vst v63  }
0xbf: {  	v3 =	vadd.s32 v1, v3;
	s31 =	simm.s32 $0xD100  }
0xc0: {  	[hbm4b:s12+s2] =	stream.indirect_vreg.scatter [tilespmem:s31], [sflag:$0x1], $0x80, v4, vm0, $0xb8;
	[tilespmem:$0x10100] =	vst v63  }
0xc1: {  	s31 =	simm.s32 $0xD900  }
0xc2: {  	[hbm4b:s13+s2] =	stream.indirect_vreg.scatter [tilespmem:s31], [sflag:$0x1], $0x80, v4, vm0, $0xb8;
	[tilespmem:$0x10100] =	vst v63  }
0xc3: {  	s31 =	simm.s32 $0xE100  }
0xc4: {  	[hbm4b:s6+s2] =	stream.indirect_vreg.scatter [tilespmem:s31], [sflag:$0x1], $0x80, v3, vm0, $0xb8;
	[tilespmem:$0x10100] =	vst v63  }
0xc5: {  	s31 =	simm.s32 $0xE900  }
0xc6: {  	[hbm4b:s11+s2] =	stream.indirect_vreg.scatter [tilespmem:s31], [sflag:$0x1], $0x80, v3, vm0, $0xb8;
	[tilespmem:$0x10100] =	vst v63  }
0xc7: {  	p1 =	por p0, p0;
	s31 =	simm.s32 $0xF100  }
0xc8: {  	[hbm4b:s12+s2] =	stream.indirect_vreg.scatter [tilespmem:s31], [sflag:$0x1], $0x80, v3, vm0, $0xb8;
	[tilespmem:$0x10100] =	vst v63  }
.Ltmp0:
0xc9: {  	s0 =	simm.s32 $0x1;
	s31 =	simm.s32 $0xF900;
	(pc) =	sbr.rel @p1 .LBB2_2-.Ltmp0, $4  }
0xca: {  	[hbm4b:s13+s2] =	stream.indirect_vreg.scatter [tilespmem:s31], [sflag:$0x1], $0x80, v3, vm0, $0xb8;
	[tilespmem:$0x10100] =	vst v63  }
0xcb: {  	_ =	swait.ge [sflag:s0], $0x10000  }
0xcc: {  	p0 =	por $0x0, $0x0;
	[sflag:s0] =	ssyncset.done $0x0  }
0xcd: {  	s30 =	simm.s32 $0x8;
	s4 =	simm.s32 $0x2;
	[sflag:s0] =	ssyncadd.s32 $0xFFFF0000  }
0xce: {  	s3 =	rddreg [dreg:$0x6]  }
0xcf: {  	s0 =	rddreg [dreg:$0x5];
	s3 =	sadd.s32 $0x1, s3  }
0xd0: {  	p0 =	sne.s32 s3, s0  }
.Ltmp1:
0xd1: {  	_ = 	snop;
	(pc) =	sbr.rel @p0 .LBB2_1-.Ltmp1, $1  }
0xd2: {  	_ =	sdelay $0x3  }
0xd3: {  	_ =	sfence.sel $0x180000  }
0xd4: {  	[bflag:$0x0] =	sbarrier.arrive $0xFFFF  }
0xd5: {  	_ =	strace $0x90000047  }
0xd6: {  	s0 =	stileid.u32;
	[bflag:$0x2] =	sbarrier.arrive $0xFFFF  }
0xd7: {  	p0 =	sne.s32 s0, $0x0;
	s0 =	rddreg [dreg:$0x2]  }
0xd8: {  	s0 =	sadd.s32 @!p0 $0x100000, s0  }
0xd9: {  	[sflag:s0] =	ssyncadd.tile.s32 @!p0 $0x1;
	_ =	shalt  }
.Lfunc_end2:
_tile_overlayer_lowered:
.L_overlay_start_2:
0xda: {  	(tag) =	ssettag $0x2  }
0xdb: {  	s0 =	rddreg [dreg:$0x0];
	s2 =	stileid.u32  }
0xdc: {  	s1 =	rddreg [dreg:$0x1];
	p0 =	sne.s32 s2, $0x0  }
0xdd: {  	s3 =	rddreg [dreg:$0x2];
	[bflag:$0x3] =	sbarrier.arrive $0xFFFF;
	s2 =	simm.s32 @!p0 $0x1C02  }
0xde: {  	[timem:s3], [sflag:s2] =	dma.local @!p0 [hbm:s0], s1  }
0xdf: {  	s0 =	simm.s32 @!p0 $0x2  }
0xe0: {  	_ =	swait.ge @!p0 [sflag:s0], s1  }
0xe1: {  	s1 =	ssub.s32 @!p0 $0x0, s1;
	[sflag:s0] =	ssyncset.done @!p0 $0x0  }
0xe2: {  	[sflag:s0] =	ssyncadd.s32 @!p0 s1  }
0xe3: {  	[bflag:$0x3] =	sbarrier.arrive $0xFFFF  }
0xe4: {  	_ =	shalt  }

</sc_bundles>
